<compile_context>
chip_gen: v7x
topology: tpu7x:2x2x1
jax: 0.10.2.dev20260603
libtpu: 0.0.44.dev20260713+nightly
codegen_flags: <defaults>
</compile_context>

<pallas_src>
import functools

import jax
import jax.numpy as jnp
from jax import lax
from jax.experimental import pallas as pl
from jax.experimental.pallas import tpu as pltpu
from jax.experimental.pallas import tpu_sc as plsc

_N = 4096
_NV = _N // 16
_NW = 32
_ROWS_PER_W = _N // _NW

_LOG1P_COEF = (
    0.00014158697615995752, 0.9954265941154733, -0.46407051313516134,
    0.21640839818195007, -0.054862257119964127,
)
_U = 8

_RSPLIT = 1504
_SC_ROWS = (_N - _RSPLIT) // _NW
_TC_CHUNK = 512
_TC_NC = _N // _TC_CHUNK


_GATHER_DNUMS = lax.GatherDimensionNumbers(
    offset_dims=(), collapsed_slice_dims=(0,), start_index_map=(0,))


def _log1p_poly(t):
    acc = jnp.float32(_LOG1P_COEF[-1])
    for c in _LOG1P_COEF[-2::-1]:
        acc = acc * t + jnp.float32(c)
    return acc


def _bce_terms(si, li, sj, lj):
    x = si - sj
    yd = li - lj
    xt = jnp.where(yd > 0, x, jnp.float32(0.0))
    a = jnp.abs(x)
    e = jnp.exp(-a)
    return (jnp.float32(0.5) * a + _log1p_poly(e)) - xt


def _make_sc_kernel():
    mesh = plsc.VectorSubcoreMesh(core_axis_name="c", subcore_axis_name="s")

    @functools.partial(
        pl.kernel,
        mesh=mesh,
        out_type=jax.ShapeDtypeStruct(((_NW + 2) * 16,), jnp.float32),
        scratch_types=[
            pltpu.VMEM((_N,), jnp.float32),
            pltpu.VMEM((_N,), jnp.float32),
            pltpu.VMEM((16,), jnp.float32),
        ],
    )
    def sc_kernel(scores_hbm, labels_hbm, out_hbm, sv, lv, accv):
        cid = lax.axis_index("c")
        sid = lax.axis_index("s")
        wid = sid * 2 + cid

        pltpu.sync_copy(scores_hbm, sv)
        pltpu.sync_copy(labels_hbm, lv)

        lanes = lax.iota(jnp.int32, 16)
        zero16 = jnp.zeros((16,), jnp.float32)

        def row_body(r, accs):
            i = _RSPLIT + wid + _NW * r
            lane_splat = jnp.full((16,), i & 15, jnp.int32)
            svec_i = sv[pl.ds((i >> 4) * 16, 16)]
            lvec_i = lv[pl.ds((i >> 4) * 16, 16)]
            si = lax.gather(
                svec_i, lane_splat[:, None], _GATHER_DNUMS, slice_sizes=(1,),
                mode=lax.GatherScatterMode.PROMISE_IN_BOUNDS)
            li = lax.gather(
                lvec_i, lane_splat[:, None], _GATHER_DNUMS, slice_sizes=(1,),
                mode=lax.GatherScatterMode.PROMISE_IN_BOUNDS)
            vb = jnp.minimum((i + 1) >> 4, _NV - 1)
            v0 = vb & ~(_U - 1)
            accs = list(accs)
            for k in range(_U):
                v = v0 + k
                jvec = lanes + v * 16
                sj = sv[pl.ds(v * 16, 16)]
                lj = lv[pl.ds(v * 16, 16)]
                term = _bce_terms(si, li, sj, lj)
                accs[k] = accs[k] + jnp.where(jvec > i, term,
                                              jnp.float32(0.0))

            def grp_body(g, a):
                base = g * (16 * _U)
                res = []
                for k in range(_U):
                    sj = sv[pl.ds(base + k * 16, 16)]
                    lj = lv[pl.ds(base + k * 16, 16)]
                    res.append(a[k] + _bce_terms(si, li, sj, lj))
                return tuple(res)

            return plsc.parallel_loop(
                v0 // _U + 1, _NV // _U,
                carry=tuple(accs))(lambda g, a: grp_body(g, a))

        accs = lax.fori_loop(0, _SC_ROWS, row_body, (zero16,) * _U)
        tot_acc = accs[0]
        for a in accs[1:]:
            tot_acc = tot_acc + a
        accv[...] = tot_acc
        pltpu.sync_copy(accv, out_hbm.at[pl.ds(wid * 16, 16)])

        @pl.when(wid == _NW - 1)
        def _():
            def sum_body(v, a):
                return a + lv[pl.ds(v * 16, 16)]

            tot = lax.fori_loop(0, _NV, sum_body, zero16)
            for sh in (8, 4, 2, 1):
                perm = lanes ^ sh
                tot = tot + lax.gather(
                    tot, perm[:, None], _GATHER_DNUMS, slice_sizes=(1,),
                    mode=lax.GatherScatterMode.PROMISE_IN_BOUNDS)
            mean = tot / jnp.float32(_N)

            def ssq_body(v, a):
                d = lv[pl.ds(v * 16, 16)] - mean
                return a + d * d

            ssq = lax.fori_loop(0, _NV, ssq_body, zero16)
            accv[...] = ssq
            pltpu.sync_copy(accv, out_hbm.at[pl.ds(_NW * 16, 16)])

            def xsum_body(v, a):
                jvec = lanes + v * 16
                w = (jnp.int32(_N - 1) - 2 * jvec).astype(jnp.float32)
                return a + w * sv[pl.ds(v * 16, 16)]

            xs = lax.fori_loop(0, _NV, xsum_body, zero16)
            accv[...] = xs
            pltpu.sync_copy(accv, out_hbm.at[pl.ds((_NW + 1) * 16, 16)])

    return sc_kernel


_sc_kernel = _make_sc_kernel()


def _make_tc_kernel():
    def tc_kernel(s_row, l_row, s_col, l_col, out_ref):
        g = pl.program_id(0)
        i0 = g * 8
        si = s_row[pl.ds(i0, 8), :]
        li = l_row[pl.ds(i0, 8), :]
        rows = i0 + lax.broadcasted_iota(jnp.int32, (8, _TC_CHUNK), 0)

        @pl.when(g == 0)
        def _():
            out_ref[...] = jnp.zeros_like(out_ref)

        accs = [None] * 4
        for c in range(_TC_NC):
            sj = s_col[:, c * _TC_CHUNK:(c + 1) * _TC_CHUNK]
            lj = l_col[:, c * _TC_CHUNK:(c + 1) * _TC_CHUNK]
            cols = c * _TC_CHUNK + lax.broadcasted_iota(
                jnp.int32, (8, _TC_CHUNK), 1)
            t = jnp.where(cols > rows, _bce_terms(si, li, sj, lj),
                          jnp.float32(0.0))
            k = c % 4
            accs[k] = t if accs[k] is None else accs[k] + t
        out_ref[...] += (accs[0] + accs[1]) + (accs[2] + accs[3])

    return pl.pallas_call(
        tc_kernel,
        grid=(_RSPLIT // 8,),
        in_specs=[
            pl.BlockSpec((_N, 1), lambda g: (0, 0)),
            pl.BlockSpec((_N, 1), lambda g: (0, 0)),
            pl.BlockSpec((1, _N), lambda g: (0, 0)),
            pl.BlockSpec((1, _N), lambda g: (0, 0)),
        ],
        out_specs=pl.BlockSpec((8, _TC_CHUNK), lambda g: (0, 0)),
        out_shape=jax.ShapeDtypeStruct((8, _TC_CHUNK), jnp.float32),
    )


_tc_kernel = _make_tc_kernel()


def kernel(scores, labels):
    out = _sc_kernel(scores, labels)
    tc_out = _tc_kernel(scores.reshape(_N, 1), labels.reshape(_N, 1),
                        scores.reshape(1, _N), labels.reshape(1, _N))
    xsum = jnp.sum(out[(_NW + 1) * 16 :])
    total = (jnp.sum(out[: _NW * 16]) + jnp.sum(tc_out)
             + jnp.float32(0.5) * xsum)
    npairs = _N * (_N - 1) // 2
    loss = total / jnp.float32(npairs)
    ssq = jnp.sum(out[_NW * 16 : (_NW + 1) * 16])
    std = jnp.sqrt(ssq / jnp.float32(_N - 1))
    return jnp.where(std < 1e-8, jnp.float32(0.0), loss)

# --- scband reference (transcript-rebuilt; emitter-appended) ---
"""Pipeline reference for scband-rank-net-loss-57518202028631 (READ-ONLY COPY).

The authoritative reference and input builder live on the scoring server;
editing this copy changes nothing except your own understanding.
"""

import jax, jax.numpy as jnp
import numpy as np

N = 4096

def setup_inputs(seed: int = 0) -> dict:
    key = jax.random.key(seed)
    k1, k2 = jax.random.split(key)
    scores = jax.random.normal(k1, (N,), dtype=jnp.float32)
    labels = jax.random.uniform(k2, (N,), dtype=jnp.float32)
    return {"scores": scores, "labels": labels}

def _bce_with_logits_mean(x, t):
    # numerically-stable binary_cross_entropy_with_logits, mean reduction
    return jnp.mean(jnp.maximum(x, 0.0) - x * t + jnp.log1p(jnp.exp(-jnp.abs(x))))

def reference(scores, labels):
    n = scores.size
    # neg_sample is None -> all upper-triangular pairs
    idx_i, idx_j = jnp.triu_indices(n, k=1)
    s_diff = scores[idx_i] - scores[idx_j]
    y_diff = labels[idx_i] - labels[idx_j]
    target = (y_diff > 0).astype(jnp.float32)
    loss = _bce_with_logits_mean(s_diff, target)
    # torch.std is unbiased (ddof=1); degenerate-label guard
    std = jnp.std(labels, ddof=1)
    return jnp.where(std < 1e-8, jnp.float32(0.0), loss)

if __name__ == "__main__":
    import jax
    _d = setup_inputs()
    print(jax.jit(kernel)(*tuple(_d.values())))

</pallas_src>

<mosaic_0001>
#map = affine_map<(d0, d1) -> (0)>
module attributes {stable_mosaic.version = 14 : i64} {
  func.func @sc_kernel(%arg0: i32, %arg1: i32, %arg2: memref<4096xf32, #tpu.memory_space<hbm>>, %arg3: memref<4096xf32, #tpu.memory_space<hbm>>, %arg4: memref<544xf32, #tpu.memory_space<hbm>>, %arg5: memref<4096xf32, #tpu.memory_space<vmem>>, %arg6: memref<4096xf32, #tpu.memory_space<vmem>>, %arg7: memref<16xf32, #tpu.memory_space<vmem>>) attributes {dimension_semantics = [#tpu.dimension_semantics<core_parallel>, #tpu.dimension_semantics<subcore_parallel>], iteration_bounds = array<i64: 2, 16>, scalar_prefetch = 0 : i64, scratch_operands = 3 : i64, tpu.core_type = #tpu.core_type<sc_vector_subcore>, window_params = [{transform_indices = #map}, {transform_indices = #map}, {transform_indices = #map}]} {
    %mul3A = arith.constant 2 : i32
    %mul3A_0 = arith.muli %arg1, %mul3A : i32
    %add3A = arith.addi %mul3A_0, %arg0 : i32
    "tpu.region"() ({
      %run_scoped3A = tpu.sem_alloc : memref<!tpu.dma_semaphore, #tpu.memory_space<semaphore_mem>>
      tpu.enqueue_dma source(%arg2 : memref<4096xf32, #tpu.memory_space<hbm>>) target(%arg5 : memref<4096xf32, #tpu.memory_space<vmem>>) target_semaphore(%run_scoped3A : memref<!tpu.dma_semaphore, #tpu.memory_space<semaphore_mem>>)
      tpu.wait_dma2 semaphore(%run_scoped3A : memref<!tpu.dma_semaphore, #tpu.memory_space<semaphore_mem>>) src(%arg2 : memref<4096xf32, #tpu.memory_space<hbm>>) dst(%arg5 : memref<4096xf32, #tpu.memory_space<vmem>>)
      tpu.yield
    }) : () -> ()
    "tpu.region"() ({
      %run_scoped3A = tpu.sem_alloc : memref<!tpu.dma_semaphore, #tpu.memory_space<semaphore_mem>>
      tpu.enqueue_dma source(%arg3 : memref<4096xf32, #tpu.memory_space<hbm>>) target(%arg6 : memref<4096xf32, #tpu.memory_space<vmem>>) target_semaphore(%run_scoped3A : memref<!tpu.dma_semaphore, #tpu.memory_space<semaphore_mem>>)
      tpu.wait_dma2 semaphore(%run_scoped3A : memref<!tpu.dma_semaphore, #tpu.memory_space<semaphore_mem>>) src(%arg3 : memref<4096xf32, #tpu.memory_space<hbm>>) dst(%arg6 : memref<4096xf32, #tpu.memory_space<vmem>>)
      tpu.yield
    }) : () -> ()
    %iota3A = tpu.iota {dimensions = array<i32: 0>} : vector<16xi32>
    %broadcast_in_dim3A = arith.constant 0.000000e+00 : f32
    %broadcast_in_dim3A_1 = vector.broadcast %broadcast_in_dim3A : f32 to vector<16xf32>
    %scan3A = arith.constant 0 : i32
    %scan3A_2 = arith.constant 81 : i32
    %scan3A_3 = arith.addi %scan3A, %scan3A_2 : i32
    %scan3A_4 = arith.constant 1 : i32
    %scan3A_5:8 = scf.for %scan3A_21 = %scan3A to %scan3A_3 step %scan3A_4 iter_args(%scan3A_22 = %broadcast_in_dim3A_1, %scan3A_23 = %broadcast_in_dim3A_1, %scan3A_24 = %broadcast_in_dim3A_1, %scan3A_25 = %broadcast_in_dim3A_1, %scan3A_26 = %broadcast_in_dim3A_1, %scan3A_27 = %broadcast_in_dim3A_1, %scan3A_28 = %broadcast_in_dim3A_1, %scan3A_29 = %broadcast_in_dim3A_1) -> (vector<16xf32>, vector<16xf32>, vector<16xf32>, vector<16xf32>, vector<16xf32>, vector<16xf32>, vector<16xf32>, vector<16xf32>)  : i32 {
      %add3A_30 = arith.constant 1504 : i32
      %add3A_31 = arith.addi %add3A_30, %add3A : i32
      %mul3A_32 = arith.constant 32 : i32
      %mul3A_33 = arith.muli %mul3A_32, %scan3A_21 : i32
      %add3A_34 = arith.addi %add3A_31, %mul3A_33 : i32
      %and3A = arith.constant 15 : i32
      %and3A_35 = arith.andi %add3A_34, %and3A : i32
      %broadcast_in_dim3A_36 = vector.broadcast %and3A_35 : i32 to vector<16xi32>
      %shift_right_arithmetic3A = arith.constant 4 : i32
      %shift_right_arithmetic3A_37 = arith.shrsi %add3A_34, %shift_right_arithmetic3A : i32
      %mul3A_38 = arith.constant 16 : i32
      %mul3A_39 = arith.muli %shift_right_arithmetic3A_37, %mul3A_38 : i32
      %get3A = arith.index_cast %mul3A_39 : i32 to index
      %get3A_40 = tpu.vector_load %arg5[%get3A] {strides = array<i32>} : memref<4096xf32, #tpu.memory_space<vmem>>, vector<16xf32>,
      %get3A_41 = vector.shape_cast %get3A_40 : vector<16xf32> to vector<16xf32>
      %shift_right_arithmetic3A_42 = arith.constant 4 : i32
      %shift_right_arithmetic3A_43 = arith.shrsi %add3A_34, %shift_right_arithmetic3A_42 : i32
      %mul3A_44 = arith.constant 16 : i32
      %mul3A_45 = arith.muli %shift_right_arithmetic3A_43, %mul3A_44 : i32
      %get3A_46 = arith.index_cast %mul3A_45 : i32 to index
      %get3A_47 = tpu.vector_load %arg6[%get3A_46] {strides = array<i32>} : memref<4096xf32, #tpu.memory_space<vmem>>, vector<16xf32>,
      %get3A_48 = vector.shape_cast %get3A_47 : vector<16xf32> to vector<16xf32>
      %broadcast_in_dim3A_49 = vector.shape_cast %broadcast_in_dim3A_36 : vector<16xi32> to vector<16x1xi32>
      %gather3A = vector.shape_cast %broadcast_in_dim3A_49 : vector<16x1xi32> to vector<16xi32>
      %gather3A_50 = tpu.dynamic_gather %get3A_41[%gather3A] in [0] : vector<16xf32>, vector<16xi32> -> vector<16xf32>
      %broadcast_in_dim3A_51 = vector.shape_cast %broadcast_in_dim3A_36 : vector<16xi32> to vector<16x1xi32>
      %gather3A_52 = vector.shape_cast %broadcast_in_dim3A_51 : vector<16x1xi32> to vector<16xi32>
      %gather3A_53 = tpu.dynamic_gather %get3A_48[%gather3A_52] in [0] : vector<16xf32>, vector<16xi32> -> vector<16xf32>
      %add3A_54 = arith.constant 1 : i32
      %add3A_55 = arith.addi %add3A_34, %add3A_54 : i32
      %shift_right_arithmetic3A_56 = arith.constant 4 : i32
      %shift_right_arithmetic3A_57 = arith.shrsi %add3A_55, %shift_right_arithmetic3A_56 : i32
      %min3A = arith.constant 255 : i32
      %min3A_58 = arith.minsi %shift_right_arithmetic3A_57, %min3A : i32
      %and3A_59 = arith.constant -8 : i32
      %and3A_60 = arith.andi %min3A_58, %and3A_59 : i32
      %add3A_61 = arith.constant 0 : i32
      %add3A_62 = arith.addi %and3A_60, %add3A_61 : i32
      %mul3A_63 = arith.constant 16 : i32
      %mul3A_64 = arith.muli %add3A_62, %mul3A_63 : i32
      %add3A_65 = vector.broadcast %mul3A_64 : i32 to vector<16xi32>
      %add3A_66 = arith.addi %iota3A, %add3A_65 : vector<16xi32>
      %mul3A_67 = arith.constant 16 : i32
      %mul3A_68 = arith.muli %add3A_62, %mul3A_67 : i32
      %get3A_69 = arith.index_cast %mul3A_68 : i32 to index
      %get3A_70 = tpu.vector_load %arg5[%get3A_69] {strides = array<i32>} : memref<4096xf32, #tpu.memory_space<vmem>>, vector<16xf32>,
      %get3A_71 = vector.shape_cast %get3A_70 : vector<16xf32> to vector<16xf32>
      %mul3A_72 = arith.constant 16 : i32
      %mul3A_73 = arith.muli %add3A_62, %mul3A_72 : i32
      %get3A_74 = arith.index_cast %mul3A_73 : i32 to index
      %get3A_75 = tpu.vector_load %arg6[%get3A_74] {strides = array<i32>} : memref<4096xf32, #tpu.memory_space<vmem>>, vector<16xf32>,
      %get3A_76 = vector.shape_cast %get3A_75 : vector<16xf32> to vector<16xf32>
      %sub3A = arith.subf %gather3A_50, %get3A_71 : vector<16xf32>
      %sub3A_77 = arith.subf %gather3A_53, %get3A_76 : vector<16xf32>
      %gt3A = arith.constant 0.000000e+00 : f32
      %gt3A_78 = vector.broadcast %gt3A : f32 to vector<16xf32>
      %gt3A_79 = arith.cmpf ogt, %sub3A_77, %gt3A_78 : vector<16xf32>
      %jit3A = arith.constant 0.000000e+00 : f32
      %broadcast_in_dim3A_80 = vector.broadcast %jit3A : f32 to vector<16xf32>
      %select_n3A = arith.select %gt3A_79, %sub3A, %broadcast_in_dim3A_80 : vector<16xi1>, vector<16xf32>
      %abs3A = math.absf %sub3A : vector<16xf32>
      %neg3A = arith.constant 0.000000e+00 : f32
      %neg3A_81 = vector.broadcast %neg3A : f32 to vector<16xf32>
      %neg3A_82 = arith.subf %neg3A_81, %abs3A : vector<16xf32>
      %exp3A = math.exp %neg3A_82 : vector<16xf32>
      %mul3A_83 = arith.constant 5.000000e-01 : f32
      %mul3A_84 = vector.broadcast %mul3A_83 : f32 to vector<16xf32>
      %mul3A_85 = arith.mulf %mul3A_84, %abs3A : vector<16xf32>
      %mul3A_86 = arith.constant -0.0548622571 : f32
      %mul3A_87 = vector.broadcast %mul3A_86 : f32 to vector<16xf32>
      %mul3A_88 = arith.mulf %mul3A_87, %exp3A : vector<16xf32>
      %add3A_89 = arith.constant 0.216408402 : f32
      %add3A_90 = vector.broadcast %add3A_89 : f32 to vector<16xf32>
      %add3A_91 = arith.addf %mul3A_88, %add3A_90 : vector<16xf32>
      %mul3A_92 = arith.mulf %add3A_91, %exp3A : vector<16xf32>
      %add3A_93 = arith.constant -0.464070499 : f32
      %add3A_94 = vector.broadcast %add3A_93 : f32 to vector<16xf32>
      %add3A_95 = arith.addf %mul3A_92, %add3A_94 : vector<16xf32>
      %mul3A_96 = arith.mulf %add3A_95, %exp3A : vector<16xf32>
      %add3A_97 = arith.constant 0.995426595 : f32
      %add3A_98 = vector.broadcast %add3A_97 : f32 to vector<16xf32>
      %add3A_99 = arith.addf %mul3A_96, %add3A_98 : vector<16xf32>
      %mul3A_100 = arith.mulf %add3A_99, %exp3A : vector<16xf32>
      %add3A_101 = arith.constant 1.41586977E-4 : f32
      %add3A_102 = vector.broadcast %add3A_101 : f32 to vector<16xf32>
      %add3A_103 = arith.addf %mul3A_100, %add3A_102 : vector<16xf32>
      %add3A_104 = arith.addf %mul3A_85, %add3A_103 : vector<16xf32>
      %sub3A_105 = arith.subf %add3A_104, %select_n3A : vector<16xf32>
      %gt3A_106 = vector.broadcast %add3A_34 : i32 to vector<16xi32>
      %gt3A_107 = arith.cmpi sgt, %add3A_66, %gt3A_106 : vector<16xi32>
      %jit3A_108 = arith.constant 0.000000e+00 : f32
      %broadcast_in_dim3A_109 = vector.broadcast %jit3A_108 : f32 to vector<16xf32>
      %select_n3A_110 = arith.select %gt3A_107, %sub3A_105, %broadcast_in_dim3A_109 : vector<16xi1>, vector<16xf32>
      %add3A_111 = arith.addf %scan3A_22, %select_n3A_110 : vector<16xf32>
      %add3A_112 = arith.constant 1 : i32
      %add3A_113 = arith.addi %and3A_60, %add3A_112 : i32
      %mul3A_114 = arith.constant 16 : i32
      %mul3A_115 = arith.muli %add3A_113, %mul3A_114 : i32
      %add3A_116 = vector.broadcast %mul3A_115 : i32 to vector<16xi32>
      %add3A_117 = arith.addi %iota3A, %add3A_116 : vector<16xi32>
      %mul3A_118 = arith.constant 16 : i32
      %mul3A_119 = arith.muli %add3A_113, %mul3A_118 : i32
      %get3A_120 = arith.index_cast %mul3A_119 : i32 to index
      %get3A_121 = tpu.vector_load %arg5[%get3A_120] {strides = array<i32>} : memref<4096xf32, #tpu.memory_space<vmem>>, vector<16xf32>,
      %get3A_122 = vector.shape_cast %get3A_121 : vector<16xf32> to vector<16xf32>
      %mul3A_123 = arith.constant 16 : i32
      %mul3A_124 = arith.muli %add3A_113, %mul3A_123 : i32
      %get3A_125 = arith.index_cast %mul3A_124 : i32 to index
      %get3A_126 = tpu.vector_load %arg6[%get3A_125] {strides = array<i32>} : memref<4096xf32, #tpu.memory_space<vmem>>, vector<16xf32>,
      %get3A_127 = vector.shape_cast %get3A_126 : vector<16xf32> to vector<16xf32>
      %sub3A_128 = arith.subf %gather3A_50, %get3A_122 : vector<16xf32>
      %sub3A_129 = arith.subf %gather3A_53, %get3A_127 : vector<16xf32>
      %gt3A_130 = arith.constant 0.000000e+00 : f32
      %gt3A_131 = vector.broadcast %gt3A_130 : f32 to vector<16xf32>
      %gt3A_132 = arith.cmpf ogt, %sub3A_129, %gt3A_131 : vector<16xf32>
      %jit3A_133 = arith.constant 0.000000e+00 : f32
      %broadcast_in_dim3A_134 = vector.broadcast %jit3A_133 : f32 to vector<16xf32>
      %select_n3A_135 = arith.select %gt3A_132, %sub3A_128, %broadcast_in_dim3A_134 : vector<16xi1>, vector<16xf32>
      %abs3A_136 = math.absf %sub3A_128 : vector<16xf32>
      %neg3A_137 = arith.constant 0.000000e+00 : f32
      %neg3A_138 = vector.broadcast %neg3A_137 : f32 to vector<16xf32>
      %neg3A_139 = arith.subf %neg3A_138, %abs3A_136 : vector<16xf32>
      %exp3A_140 = math.exp %neg3A_139 : vector<16xf32>
      %mul3A_141 = arith.constant 5.000000e-01 : f32
      %mul3A_142 = vector.broadcast %mul3A_141 : f32 to vector<16xf32>
      %mul3A_143 = arith.mulf %mul3A_142, %abs3A_136 : vector<16xf32>
      %mul3A_144 = arith.constant -0.0548622571 : f32
      %mul3A_145 = vector.broadcast %mul3A_144 : f32 to vector<16xf32>
      %mul3A_146 = arith.mulf %mul3A_145, %exp3A_140 : vector<16xf32>
      %add3A_147 = arith.constant 0.216408402 : f32
      %add3A_148 = vector.broadcast %add3A_147 : f32 to vector<16xf32>
      %add3A_149 = arith.addf %mul3A_146, %add3A_148 : vector<16xf32>
      %mul3A_150 = arith.mulf %add3A_149, %exp3A_140 : vector<16xf32>
      %add3A_151 = arith.constant -0.464070499 : f32
      %add3A_152 = vector.broadcast %add3A_151 : f32 to vector<16xf32>
      %add3A_153 = arith.addf %mul3A_150, %add3A_152 : vector<16xf32>
      %mul3A_154 = arith.mulf %add3A_153, %exp3A_140 : vector<16xf32>
      %add3A_155 = arith.constant 0.995426595 : f32
      %add3A_156 = vector.broadcast %add3A_155 : f32 to vector<16xf32>
      %add3A_157 = arith.addf %mul3A_154, %add3A_156 : vector<16xf32>
      %mul3A_158 = arith.mulf %add3A_157, %exp3A_140 : vector<16xf32>
      %add3A_159 = arith.constant 1.41586977E-4 : f32
      %add3A_160 = vector.broadcast %add3A_159 : f32 to vector<16xf32>
      %add3A_161 = arith.addf %mul3A_158, %add3A_160 : vector<16xf32>
      %add3A_162 = arith.addf %mul3A_143, %add3A_161 : vector<16xf32>
      %sub3A_163 = arith.subf %add3A_162, %select_n3A_135 : vector<16xf32>
      %gt3A_164 = vector.broadcast %add3A_34 : i32 to vector<16xi32>
      %gt3A_165 = arith.cmpi sgt, %add3A_117, %gt3A_164 : vector<16xi32>
      %jit3A_166 = arith.constant 0.000000e+00 : f32
      %broadcast_in_dim3A_167 = vector.broadcast %jit3A_166 : f32 to vector<16xf32>
      %select_n3A_168 = arith.select %gt3A_165, %sub3A_163, %broadcast_in_dim3A_167 : vector<16xi1>, vector<16xf32>
      %add3A_169 = arith.addf %scan3A_23, %select_n3A_168 : vector<16xf32>
      %add3A_170 = arith.constant 2 : i32
      %add3A_171 = arith.addi %and3A_60, %add3A_170 : i32
      %mul3A_172 = arith.constant 16 : i32
      %mul3A_173 = arith.muli %add3A_171, %mul3A_172 : i32
      %add3A_174 = vector.broadcast %mul3A_173 : i32 to vector<16xi32>
      %add3A_175 = arith.addi %iota3A, %add3A_174 : vector<16xi32>
      %mul3A_176 = arith.constant 16 : i32
      %mul3A_177 = arith.muli %add3A_171, %mul3A_176 : i32
      %get3A_178 = arith.index_cast %mul3A_177 : i32 to index
      %get3A_179 = tpu.vector_load %arg5[%get3A_178] {strides = array<i32>} : memref<4096xf32, #tpu.memory_space<vmem>>, vector<16xf32>,
      %get3A_180 = vector.shape_cast %get3A_179 : vector<16xf32> to vector<16xf32>
      %mul3A_181 = arith.constant 16 : i32
      %mul3A_182 = arith.muli %add3A_171, %mul3A_181 : i32
      %get3A_183 = arith.index_cast %mul3A_182 : i32 to index
      %get3A_184 = tpu.vector_load %arg6[%get3A_183] {strides = array<i32>} : memref<4096xf32, #tpu.memory_space<vmem>>, vector<16xf32>,
      %get3A_185 = vector.shape_cast %get3A_184 : vector<16xf32> to vector<16xf32>
      %sub3A_186 = arith.subf %gather3A_50, %get3A_180 : vector<16xf32>
      %sub3A_187 = arith.subf %gather3A_53, %get3A_185 : vector<16xf32>
      %gt3A_188 = arith.constant 0.000000e+00 : f32
      %gt3A_189 = vector.broadcast %gt3A_188 : f32 to vector<16xf32>
      %gt3A_190 = arith.cmpf ogt, %sub3A_187, %gt3A_189 : vector<16xf32>
      %jit3A_191 = arith.constant 0.000000e+00 : f32
      %broadcast_in_dim3A_192 = vector.broadcast %jit3A_191 : f32 to vector<16xf32>
      %select_n3A_193 = arith.select %gt3A_190, %sub3A_186, %broadcast_in_dim3A_192 : vector<16xi1>, vector<16xf32>
      %abs3A_194 = math.absf %sub3A_186 : vector<16xf32>
      %neg3A_195 = arith.constant 0.000000e+00 : f32
      %neg3A_196 = vector.broadcast %neg3A_195 : f32 to vector<16xf32>
      %neg3A_197 = arith.subf %neg3A_196, %abs3A_194 : vector<16xf32>
      %exp3A_198 = math.exp %neg3A_197 : vector<16xf32>
      %mul3A_199 = arith.constant 5.000000e-01 : f32
      %mul3A_200 = vector.broadcast %mul3A_199 : f32 to vector<16xf32>
      %mul3A_201 = arith.mulf %mul3A_200, %abs3A_194 : vector<16xf32>
      %mul3A_202 = arith.constant -0.0548622571 : f32
      %mul3A_203 = vector.broadcast %mul3A_202 : f32 to vector<16xf32>
      %mul3A_204 = arith.mulf %mul3A_203, %exp3A_198 : vector<16xf32>
      %add3A_205 = arith.constant 0.216408402 : f32
      %add3A_206 = vector.broadcast %add3A_205 : f32 to vector<16xf32>
      %add3A_207 = arith.addf %mul3A_204, %add3A_206 : vector<16xf32>
      %mul3A_208 = arith.mulf %add3A_207, %exp3A_198 : vector<16xf32>
      %add3A_209 = arith.constant -0.464070499 : f32
      %add3A_210 = vector.broadcast %add3A_209 : f32 to vector<16xf32>
      %add3A_211 = arith.addf %mul3A_208, %add3A_210 : vector<16xf32>
      %mul3A_212 = arith.mulf %add3A_211, %exp3A_198 : vector<16xf32>
      %add3A_213 = arith.constant 0.995426595 : f32
      %add3A_214 = vector.broadcast %add3A_213 : f32 to vector<16xf32>
      %add3A_215 = arith.addf %mul3A_212, %add3A_214 : vector<16xf32>
      %mul3A_216 = arith.mulf %add3A_215, %exp3A_198 : vector<16xf32>
      %add3A_217 = arith.constant 1.41586977E-4 : f32
      %add3A_218 = vector.broadcast %add3A_217 : f32 to vector<16xf32>
      %add3A_219 = arith.addf %mul3A_216, %add3A_218 : vector<16xf32>
      %add3A_220 = arith.addf %mul3A_201, %add3A_219 : vector<16xf32>
      %sub3A_221 = arith.subf %add3A_220, %select_n3A_193 : vector<16xf32>
      %gt3A_222 = vector.broadcast %add3A_34 : i32 to vector<16xi32>
      %gt3A_223 = arith.cmpi sgt, %add3A_175, %gt3A_222 : vector<16xi32>
      %jit3A_224 = arith.constant 0.000000e+00 : f32
      %broadcast_in_dim3A_225 = vector.broadcast %jit3A_224 : f32 to vector<16xf32>
      %select_n3A_226 = arith.select %gt3A_223, %sub3A_221, %broadcast_in_dim3A_225 : vector<16xi1>, vector<16xf32>
      %add3A_227 = arith.addf %scan3A_24, %select_n3A_226 : vector<16xf32>
      %add3A_228 = arith.constant 3 : i32
      %add3A_229 = arith.addi %and3A_60, %add3A_228 : i32
      %mul3A_230 = arith.constant 16 : i32
      %mul3A_231 = arith.muli %add3A_229, %mul3A_230 : i32
      %add3A_232 = vector.broadcast %mul3A_231 : i32 to vector<16xi32>
      %add3A_233 = arith.addi %iota3A, %add3A_232 : vector<16xi32>
      %mul3A_234 = arith.constant 16 : i32
      %mul3A_235 = arith.muli %add3A_229, %mul3A_234 : i32
      %get3A_236 = arith.index_cast %mul3A_235 : i32 to index
      %get3A_237 = tpu.vector_load %arg5[%get3A_236] {strides = array<i32>} : memref<4096xf32, #tpu.memory_space<vmem>>, vector<16xf32>,
      %get3A_238 = vector.shape_cast %get3A_237 : vector<16xf32> to vector<16xf32>
      %mul3A_239 = arith.constant 16 : i32
      %mul3A_240 = arith.muli %add3A_229, %mul3A_239 : i32
      %get3A_241 = arith.index_cast %mul3A_240 : i32 to index
      %get3A_242 = tpu.vector_load %arg6[%get3A_241] {strides = array<i32>} : memref<4096xf32, #tpu.memory_space<vmem>>, vector<16xf32>,
      %get3A_243 = vector.shape_cast %get3A_242 : vector<16xf32> to vector<16xf32>
      %sub3A_244 = arith.subf %gather3A_50, %get3A_238 : vector<16xf32>
      %sub3A_245 = arith.subf %gather3A_53, %get3A_243 : vector<16xf32>
      %gt3A_246 = arith.constant 0.000000e+00 : f32
      %gt3A_247 = vector.broadcast %gt3A_246 : f32 to vector<16xf32>
      %gt3A_248 = arith.cmpf ogt, %sub3A_245, %gt3A_247 : vector<16xf32>
      %jit3A_249 = arith.constant 0.000000e+00 : f32
      %broadcast_in_dim3A_250 = vector.broadcast %jit3A_249 : f32 to vector<16xf32>
      %select_n3A_251 = arith.select %gt3A_248, %sub3A_244, %broadcast_in_dim3A_250 : vector<16xi1>, vector<16xf32>
      %abs3A_252 = math.absf %sub3A_244 : vector<16xf32>
      %neg3A_253 = arith.constant 0.000000e+00 : f32
      %neg3A_254 = vector.broadcast %neg3A_253 : f32 to vector<16xf32>
      %neg3A_255 = arith.subf %neg3A_254, %abs3A_252 : vector<16xf32>
      %exp3A_256 = math.exp %neg3A_255 : vector<16xf32>
      %mul3A_257 = arith.constant 5.000000e-01 : f32
      %mul3A_258 = vector.broadcast %mul3A_257 : f32 to vector<16xf32>
      %mul3A_259 = arith.mulf %mul3A_258, %abs3A_252 : vector<16xf32>
      %mul3A_260 = arith.constant -0.0548622571 : f32
      %mul3A_261 = vector.broadcast %mul3A_260 : f32 to vector<16xf32>
      %mul3A_262 = arith.mulf %mul3A_261, %exp3A_256 : vector<16xf32>
      %add3A_263 = arith.constant 0.216408402 : f32
      %add3A_264 = vector.broadcast %add3A_263 : f32 to vector<16xf32>
      %add3A_265 = arith.addf %mul3A_262, %add3A_264 : vector<16xf32>
      %mul3A_266 = arith.mulf %add3A_265, %exp3A_256 : vector<16xf32>
      %add3A_267 = arith.constant -0.464070499 : f32
      %add3A_268 = vector.broadcast %add3A_267 : f32 to vector<16xf32>
      %add3A_269 = arith.addf %mul3A_266, %add3A_268 : vector<16xf32>
      %mul3A_270 = arith.mulf %add3A_269, %exp3A_256 : vector<16xf32>
      %add3A_271 = arith.constant 0.995426595 : f32
      %add3A_272 = vector.broadcast %add3A_271 : f32 to vector<16xf32>
      %add3A_273 = arith.addf %mul3A_270, %add3A_272 : vector<16xf32>
      %mul3A_274 = arith.mulf %add3A_273, %exp3A_256 : vector<16xf32>
      %add3A_275 = arith.constant 1.41586977E-4 : f32
      %add3A_276 = vector.broadcast %add3A_275 : f32 to vector<16xf32>
      %add3A_277 = arith.addf %mul3A_274, %add3A_276 : vector<16xf32>
      %add3A_278 = arith.addf %mul3A_259, %add3A_277 : vector<16xf32>
      %sub3A_279 = arith.subf %add3A_278, %select_n3A_251 : vector<16xf32>
      %gt3A_280 = vector.broadcast %add3A_34 : i32 to vector<16xi32>
      %gt3A_281 = arith.cmpi sgt, %add3A_233, %gt3A_280 : vector<16xi32>
      %jit3A_282 = arith.constant 0.000000e+00 : f32
      %broadcast_in_dim3A_283 = vector.broadcast %jit3A_282 : f32 to vector<16xf32>
      %select_n3A_284 = arith.select %gt3A_281, %sub3A_279, %broadcast_in_dim3A_283 : vector<16xi1>, vector<16xf32>
      %add3A_285 = arith.addf %scan3A_25, %select_n3A_284 : vector<16xf32>
      %add3A_286 = arith.constant 4 : i32
      %add3A_287 = arith.addi %and3A_60, %add3A_286 : i32
      %mul3A_288 = arith.constant 16 : i32
      %mul3A_289 = arith.muli %add3A_287, %mul3A_288 : i32
      %add3A_290 = vector.broadcast %mul3A_289 : i32 to vector<16xi32>
      %add3A_291 = arith.addi %iota3A, %add3A_290 : vector<16xi32>
      %mul3A_292 = arith.constant 16 : i32
      %mul3A_293 = arith.muli %add3A_287, %mul3A_292 : i32
      %get3A_294 = arith.index_cast %mul3A_293 : i32 to index
      %get3A_295 = tpu.vector_load %arg5[%get3A_294] {strides = array<i32>} : memref<4096xf32, #tpu.memory_space<vmem>>, vector<16xf32>,
      %get3A_296 = vector.shape_cast %get3A_295 : vector<16xf32> to vector<16xf32>
      %mul3A_297 = arith.constant 16 : i32
      %mul3A_298 = arith.muli %add3A_287, %mul3A_297 : i32
      %get3A_299 = arith.index_cast %mul3A_298 : i32 to index
      %get3A_300 = tpu.vector_load %arg6[%get3A_299] {strides = array<i32>} : memref<4096xf32, #tpu.memory_space<vmem>>, vector<16xf32>,
      %get3A_301 = vector.shape_cast %get3A_300 : vector<16xf32> to vector<16xf32>
      %sub3A_302 = arith.subf %gather3A_50, %get3A_296 : vector<16xf32>
      %sub3A_303 = arith.subf %gather3A_53, %get3A_301 : vector<16xf32>
      %gt3A_304 = arith.constant 0.000000e+00 : f32
      %gt3A_305 = vector.broadcast %gt3A_304 : f32 to vector<16xf32>
      %gt3A_306 = arith.cmpf ogt, %sub3A_303, %gt3A_305 : vector<16xf32>
      %jit3A_307 = arith.constant 0.000000e+00 : f32
      %broadcast_in_dim3A_308 = vector.broadcast %jit3A_307 : f32 to vector<16xf32>
      %select_n3A_309 = arith.select %gt3A_306, %sub3A_302, %broadcast_in_dim3A_308 : vector<16xi1>, vector<16xf32>
      %abs3A_310 = math.absf %sub3A_302 : vector<16xf32>
      %neg3A_311 = arith.constant 0.000000e+00 : f32
      %neg3A_312 = vector.broadcast %neg3A_311 : f32 to vector<16xf32>
      %neg3A_313 = arith.subf %neg3A_312, %abs3A_310 : vector<16xf32>
      %exp3A_314 = math.exp %neg3A_313 : vector<16xf32>
      %mul3A_315 = arith.constant 5.000000e-01 : f32
      %mul3A_316 = vector.broadcast %mul3A_315 : f32 to vector<16xf32>
      %mul3A_317 = arith.mulf %mul3A_316, %abs3A_310 : vector<16xf32>
      %mul3A_318 = arith.constant -0.0548622571 : f32
      %mul3A_319 = vector.broadcast %mul3A_318 : f32 to vector<16xf32>
      %mul3A_320 = arith.mulf %mul3A_319, %exp3A_314 : vector<16xf32>
      %add3A_321 = arith.constant 0.216408402 : f32
      %add3A_322 = vector.broadcast %add3A_321 : f32 to vector<16xf32>
      %add3A_323 = arith.addf %mul3A_320, %add3A_322 : vector<16xf32>
      %mul3A_324 = arith.mulf %add3A_323, %exp3A_314 : vector<16xf32>
      %add3A_325 = arith.constant -0.464070499 : f32
      %add3A_326 = vector.broadcast %add3A_325 : f32 to vector<16xf32>
      %add3A_327 = arith.addf %mul3A_324, %add3A_326 : vector<16xf32>
      %mul3A_328 = arith.mulf %add3A_327, %exp3A_314 : vector<16xf32>
      %add3A_329 = arith.constant 0.995426595 : f32
      %add3A_330 = vector.broadcast %add3A_329 : f32 to vector<16xf32>
      %add3A_331 = arith.addf %mul3A_328, %add3A_330 : vector<16xf32>
      %mul3A_332 = arith.mulf %add3A_331, %exp3A_314 : vector<16xf32>
      %add3A_333 = arith.constant 1.41586977E-4 : f32
      %add3A_334 = vector.broadcast %add3A_333 : f32 to vector<16xf32>
      %add3A_335 = arith.addf %mul3A_332, %add3A_334 : vector<16xf32>
      %add3A_336 = arith.addf %mul3A_317, %add3A_335 : vector<16xf32>
      %sub3A_337 = arith.subf %add3A_336, %select_n3A_309 : vector<16xf32>
      %gt3A_338 = vector.broadcast %add3A_34 : i32 to vector<16xi32>
      %gt3A_339 = arith.cmpi sgt, %add3A_291, %gt3A_338 : vector<16xi32>
      %jit3A_340 = arith.constant 0.000000e+00 : f32
      %broadcast_in_dim3A_341 = vector.broadcast %jit3A_340 : f32 to vector<16xf32>
      %select_n3A_342 = arith.select %gt3A_339, %sub3A_337, %broadcast_in_dim3A_341 : vector<16xi1>, vector<16xf32>
      %add3A_343 = arith.addf %scan3A_26, %select_n3A_342 : vector<16xf32>
      %add3A_344 = arith.constant 5 : i32
      %add3A_345 = arith.addi %and3A_60, %add3A_344 : i32
      %mul3A_346 = arith.constant 16 : i32
      %mul3A_347 = arith.muli %add3A_345, %mul3A_346 : i32
      %add3A_348 = vector.broadcast %mul3A_347 : i32 to vector<16xi32>
      %add3A_349 = arith.addi %iota3A, %add3A_348 : vector<16xi32>
      %mul3A_350 = arith.constant 16 : i32
      %mul3A_351 = arith.muli %add3A_345, %mul3A_350 : i32
      %get3A_352 = arith.index_cast %mul3A_351 : i32 to index
      %get3A_353 = tpu.vector_load %arg5[%get3A_352] {strides = array<i32>} : memref<4096xf32, #tpu.memory_space<vmem>>, vector<16xf32>,
      %get3A_354 = vector.shape_cast %get3A_353 : vector<16xf32> to vector<16xf32>
      %mul3A_355 = arith.constant 16 : i32
      %mul3A_356 = arith.muli %add3A_345, %mul3A_355 : i32
      %get3A_357 = arith.index_cast %mul3A_356 : i32 to index
      %get3A_358 = tpu.vector_load %arg6[%get3A_357] {strides = array<i32>} : memref<4096xf32, #tpu.memory_space<vmem>>, vector<16xf32>,
      %get3A_359 = vector.shape_cast %get3A_358 : vector<16xf32> to vector<16xf32>
      %sub3A_360 = arith.subf %gather3A_50, %get3A_354 : vector<16xf32>
      %sub3A_361 = arith.subf %gather3A_53, %get3A_359 : vector<16xf32>
      %gt3A_362 = arith.constant 0.000000e+00 : f32
      %gt3A_363 = vector.broadcast %gt3A_362 : f32 to vector<16xf32>
      %gt3A_364 = arith.cmpf ogt, %sub3A_361, %gt3A_363 : vector<16xf32>
      %jit3A_365 = arith.constant 0.000000e+00 : f32
      %broadcast_in_dim3A_366 = vector.broadcast %jit3A_365 : f32 to vector<16xf32>
      %select_n3A_367 = arith.select %gt3A_364, %sub3A_360, %broadcast_in_dim3A_366 : vector<16xi1>, vector<16xf32>
      %abs3A_368 = math.absf %sub3A_360 : vector<16xf32>
      %neg3A_369 = arith.constant 0.000000e+00 : f32
      %neg3A_370 = vector.broadcast %neg3A_369 : f32 to vector<16xf32>
      %neg3A_371 = arith.subf %neg3A_370, %abs3A_368 : vector<16xf32>
      %exp3A_372 = math.exp %neg3A_371 : vector<16xf32>
      %mul3A_373 = arith.constant 5.000000e-01 : f32
      %mul3A_374 = vector.broadcast %mul3A_373 : f32 to vector<16xf32>
      %mul3A_375 = arith.mulf %mul3A_374, %abs3A_368 : vector<16xf32>
      %mul3A_376 = arith.constant -0.0548622571 : f32
      %mul3A_377 = vector.broadcast %mul3A_376 : f32 to vector<16xf32>
      %mul3A_378 = arith.mulf %mul3A_377, %exp3A_372 : vector<16xf32>
      %add3A_379 = arith.constant 0.216408402 : f32
      %add3A_380 = vector.broadcast %add3A_379 : f32 to vector<16xf32>
      %add3A_381 = arith.addf %mul3A_378, %add3A_380 : vector<16xf32>
      %mul3A_382 = arith.mulf %add3A_381, %exp3A_372 : vector<16xf32>
      %add3A_383 = arith.constant -0.464070499 : f32
      %add3A_384 = vector.broadcast %add3A_383 : f32 to vector<16xf32>
      %add3A_385 = arith.addf %mul3A_382, %add3A_384 : vector<16xf32>
      %mul3A_386 = arith.mulf %add3A_385, %exp3A_372 : vector<16xf32>
      %add3A_387 = arith.constant 0.995426595 : f32
      %add3A_388 = vector.broadcast %add3A_387 : f32 to vector<16xf32>
      %add3A_389 = arith.addf %mul3A_386, %add3A_388 : vector<16xf32>
      %mul3A_390 = arith.mulf %add3A_389, %exp3A_372 : vector<16xf32>
      %add3A_391 = arith.constant 1.41586977E-4 : f32
      %add3A_392 = vector.broadcast %add3A_391 : f32 to vector<16xf32>
      %add3A_393 = arith.addf %mul3A_390, %add3A_392 : vector<16xf32>
      %add3A_394 = arith.addf %mul3A_375, %add3A_393 : vector<16xf32>
      %sub3A_395 = arith.subf %add3A_394, %select_n3A_367 : vector<16xf32>
      %gt3A_396 = vector.broadcast %add3A_34 : i32 to vector<16xi32>
      %gt3A_397 = arith.cmpi sgt, %add3A_349, %gt3A_396 : vector<16xi32>
      %jit3A_398 = arith.constant 0.000000e+00 : f32
      %broadcast_in_dim3A_399 = vector.broadcast %jit3A_398 : f32 to vector<16xf32>
      %select_n3A_400 = arith.select %gt3A_397, %sub3A_395, %broadcast_in_dim3A_399 : vector<16xi1>, vector<16xf32>
      %add3A_401 = arith.addf %scan3A_27, %select_n3A_400 : vector<16xf32>
      %add3A_402 = arith.constant 6 : i32
      %add3A_403 = arith.addi %and3A_60, %add3A_402 : i32
      %mul3A_404 = arith.constant 16 : i32
      %mul3A_405 = arith.muli %add3A_403, %mul3A_404 : i32
      %add3A_406 = vector.broadcast %mul3A_405 : i32 to vector<16xi32>
      %add3A_407 = arith.addi %iota3A, %add3A_406 : vector<16xi32>
      %mul3A_408 = arith.constant 16 : i32
      %mul3A_409 = arith.muli %add3A_403, %mul3A_408 : i32
      %get3A_410 = arith.index_cast %mul3A_409 : i32 to index
      %get3A_411 = tpu.vector_load %arg5[%get3A_410] {strides = array<i32>} : memref<4096xf32, #tpu.memory_space<vmem>>, vector<16xf32>,
      %get3A_412 = vector.shape_cast %get3A_411 : vector<16xf32> to vector<16xf32>
      %mul3A_413 = arith.constant 16 : i32
      %mul3A_414 = arith.muli %add3A_403, %mul3A_413 : i32
      %get3A_415 = arith.index_cast %mul3A_414 : i32 to index
      %get3A_416 = tpu.vector_load %arg6[%get3A_415] {strides = array<i32>} : memref<4096xf32, #tpu.memory_space<vmem>>, vector<16xf32>,
      %get3A_417 = vector.shape_cast %get3A_416 : vector<16xf32> to vector<16xf32>
      %sub3A_418 = arith.subf %gather3A_50, %get3A_412 : vector<16xf32>
      %sub3A_419 = arith.subf %gather3A_53, %get3A_417 : vector<16xf32>
      %gt3A_420 = arith.constant 0.000000e+00 : f32
      %gt3A_421 = vector.broadcast %gt3A_420 : f32 to vector<16xf32>
      %gt3A_422 = arith.cmpf ogt, %sub3A_419, %gt3A_421 : vector<16xf32>
      %jit3A_423 = arith.constant 0.000000e+00 : f32
      %broadcast_in_dim3A_424 = vector.broadcast %jit3A_423 : f32 to vector<16xf32>
      %select_n3A_425 = arith.select %gt3A_422, %sub3A_418, %broadcast_in_dim3A_424 : vector<16xi1>, vector<16xf32>
      %abs3A_426 = math.absf %sub3A_418 : vector<16xf32>
      %neg3A_427 = arith.constant 0.000000e+00 : f32
      %neg3A_428 = vector.broadcast %neg3A_427 : f32 to vector<16xf32>
      %neg3A_429 = arith.subf %neg3A_428, %abs3A_426 : vector<16xf32>
      %exp3A_430 = math.exp %neg3A_429 : vector<16xf32>
      %mul3A_431 = arith.constant 5.000000e-01 : f32
      %mul3A_432 = vector.broadcast %mul3A_431 : f32 to vector<16xf32>
      %mul3A_433 = arith.mulf %mul3A_432, %abs3A_426 : vector<16xf32>
      %mul3A_434 = arith.constant -0.0548622571 : f32
      %mul3A_435 = vector.broadcast %mul3A_434 : f32 to vector<16xf32>
      %mul3A_436 = arith.mulf %mul3A_435, %exp3A_430 : vector<16xf32>
      %add3A_437 = arith.constant 0.216408402 : f32
      %add3A_438 = vector.broadcast %add3A_437 : f32 to vector<16xf32>
      %add3A_439 = arith.addf %mul3A_436, %add3A_438 : vector<16xf32>
      %mul3A_440 = arith.mulf %add3A_439, %exp3A_430 : vector<16xf32>
      %add3A_441 = arith.constant -0.464070499 : f32
      %add3A_442 = vector.broadcast %add3A_441 : f32 to vector<16xf32>
      %add3A_443 = arith.addf %mul3A_440, %add3A_442 : vector<16xf32>
      %mul3A_444 = arith.mulf %add3A_443, %exp3A_430 : vector<16xf32>
      %add3A_445 = arith.constant 0.995426595 : f32
      %add3A_446 = vector.broadcast %add3A_445 : f32 to vector<16xf32>
      %add3A_447 = arith.addf %mul3A_444, %add3A_446 : vector<16xf32>
      %mul3A_448 = arith.mulf %add3A_447, %exp3A_430 : vector<16xf32>
      %add3A_449 = arith.constant 1.41586977E-4 : f32
      %add3A_450 = vector.broadcast %add3A_449 : f32 to vector<16xf32>
      %add3A_451 = arith.addf %mul3A_448, %add3A_450 : vector<16xf32>
      %add3A_452 = arith.addf %mul3A_433, %add3A_451 : vector<16xf32>
      %sub3A_453 = arith.subf %add3A_452, %select_n3A_425 : vector<16xf32>
      %gt3A_454 = vector.broadcast %add3A_34 : i32 to vector<16xi32>
      %gt3A_455 = arith.cmpi sgt, %add3A_407, %gt3A_454 : vector<16xi32>
      %jit3A_456 = arith.constant 0.000000e+00 : f32
      %broadcast_in_dim3A_457 = vector.broadcast %jit3A_456 : f32 to vector<16xf32>
      %select_n3A_458 = arith.select %gt3A_455, %sub3A_453, %broadcast_in_dim3A_457 : vector<16xi1>, vector<16xf32>
      %add3A_459 = arith.addf %scan3A_28, %select_n3A_458 : vector<16xf32>
      %add3A_460 = arith.constant 7 : i32
      %add3A_461 = arith.addi %and3A_60, %add3A_460 : i32
      %mul3A_462 = arith.constant 16 : i32
      %mul3A_463 = arith.muli %add3A_461, %mul3A_462 : i32
      %add3A_464 = vector.broadcast %mul3A_463 : i32 to vector<16xi32>
      %add3A_465 = arith.addi %iota3A, %add3A_464 : vector<16xi32>
      %mul3A_466 = arith.constant 16 : i32
      %mul3A_467 = arith.muli %add3A_461, %mul3A_466 : i32
      %get3A_468 = arith.index_cast %mul3A_467 : i32 to index
      %get3A_469 = tpu.vector_load %arg5[%get3A_468] {strides = array<i32>} : memref<4096xf32, #tpu.memory_space<vmem>>, vector<16xf32>,
      %get3A_470 = vector.shape_cast %get3A_469 : vector<16xf32> to vector<16xf32>
      %mul3A_471 = arith.constant 16 : i32
      %mul3A_472 = arith.muli %add3A_461, %mul3A_471 : i32
      %get3A_473 = arith.index_cast %mul3A_472 : i32 to index
      %get3A_474 = tpu.vector_load %arg6[%get3A_473] {strides = array<i32>} : memref<4096xf32, #tpu.memory_space<vmem>>, vector<16xf32>,
      %get3A_475 = vector.shape_cast %get3A_474 : vector<16xf32> to vector<16xf32>
      %sub3A_476 = arith.subf %gather3A_50, %get3A_470 : vector<16xf32>
      %sub3A_477 = arith.subf %gather3A_53, %get3A_475 : vector<16xf32>
      %gt3A_478 = arith.constant 0.000000e+00 : f32
      %gt3A_479 = vector.broadcast %gt3A_478 : f32 to vector<16xf32>
      %gt3A_480 = arith.cmpf ogt, %sub3A_477, %gt3A_479 : vector<16xf32>
      %jit3A_481 = arith.constant 0.000000e+00 : f32
      %broadcast_in_dim3A_482 = vector.broadcast %jit3A_481 : f32 to vector<16xf32>
      %select_n3A_483 = arith.select %gt3A_480, %sub3A_476, %broadcast_in_dim3A_482 : vector<16xi1>, vector<16xf32>
      %abs3A_484 = math.absf %sub3A_476 : vector<16xf32>
      %neg3A_485 = arith.constant 0.000000e+00 : f32
      %neg3A_486 = vector.broadcast %neg3A_485 : f32 to vector<16xf32>
      %neg3A_487 = arith.subf %neg3A_486, %abs3A_484 : vector<16xf32>
      %exp3A_488 = math.exp %neg3A_487 : vector<16xf32>
      %mul3A_489 = arith.constant 5.000000e-01 : f32
      %mul3A_490 = vector.broadcast %mul3A_489 : f32 to vector<16xf32>
      %mul3A_491 = arith.mulf %mul3A_490, %abs3A_484 : vector<16xf32>
      %mul3A_492 = arith.constant -0.0548622571 : f32
      %mul3A_493 = vector.broadcast %mul3A_492 : f32 to vector<16xf32>
      %mul3A_494 = arith.mulf %mul3A_493, %exp3A_488 : vector<16xf32>
      %add3A_495 = arith.constant 0.216408402 : f32
      %add3A_496 = vector.broadcast %add3A_495 : f32 to vector<16xf32>
      %add3A_497 = arith.addf %mul3A_494, %add3A_496 : vector<16xf32>
      %mul3A_498 = arith.mulf %add3A_497, %exp3A_488 : vector<16xf32>
      %add3A_499 = arith.constant -0.464070499 : f32
      %add3A_500 = vector.broadcast %add3A_499 : f32 to vector<16xf32>
      %add3A_501 = arith.addf %mul3A_498, %add3A_500 : vector<16xf32>
      %mul3A_502 = arith.mulf %add3A_501, %exp3A_488 : vector<16xf32>
      %add3A_503 = arith.constant 0.995426595 : f32
      %add3A_504 = vector.broadcast %add3A_503 : f32 to vector<16xf32>
      %add3A_505 = arith.addf %mul3A_502, %add3A_504 : vector<16xf32>
      %mul3A_506 = arith.mulf %add3A_505, %exp3A_488 : vector<16xf32>
      %add3A_507 = arith.constant 1.41586977E-4 : f32
      %add3A_508 = vector.broadcast %add3A_507 : f32 to vector<16xf32>
      %add3A_509 = arith.addf %mul3A_506, %add3A_508 : vector<16xf32>
      %add3A_510 = arith.addf %mul3A_491, %add3A_509 : vector<16xf32>
      %sub3A_511 = arith.subf %add3A_510, %select_n3A_483 : vector<16xf32>
      %gt3A_512 = vector.broadcast %add3A_34 : i32 to vector<16xi32>
      %gt3A_513 = arith.cmpi sgt, %add3A_465, %gt3A_512 : vector<16xi32>
      %jit3A_514 = arith.constant 0.000000e+00 : f32
      %broadcast_in_dim3A_515 = vector.broadcast %jit3A_514 : f32 to vector<16xf32>
      %select_n3A_516 = arith.select %gt3A_513, %sub3A_511, %broadcast_in_dim3A_515 : vector<16xi1>, vector<16xf32>
      %add3A_517 = arith.addf %scan3A_29, %select_n3A_516 : vector<16xf32>
      %jit3A_518 = arith.constant 8 : i32
      %div3A = arith.divsi %and3A_60, %jit3A_518 : i32
      %sign3A = arith.constant 0 : i32
      %sign3A_519 = arith.cmpi sgt, %and3A_60, %sign3A : i32
      %sign3A_520 = arith.extui %sign3A_519 : i1 to i32
      %sign3A_521 = arith.constant 0 : i32
      %sign3A_522 = arith.cmpi slt, %and3A_60, %sign3A_521 : i32
      %sign3A_523 = arith.extui %sign3A_522 : i1 to i32
      %sign3A_524 = arith.subi %sign3A_520, %sign3A_523 : i32
      %sign3A_525 = arith.constant 0 : i32
      %sign3A_526 = arith.cmpi sgt, %jit3A_518, %sign3A_525 : i32
      %sign3A_527 = arith.extui %sign3A_526 : i1 to i32
      %sign3A_528 = arith.constant 0 : i32
      %sign3A_529 = arith.cmpi slt, %jit3A_518, %sign3A_528 : i32
      %sign3A_530 = arith.extui %sign3A_529 : i1 to i32
      %sign3A_531 = arith.subi %sign3A_527, %sign3A_530 : i32
      %ne3A = arith.cmpi ne, %sign3A_524, %sign3A_531 : i32
      %rem3A = arith.remsi %and3A_60, %jit3A_518 : i32
      %ne3A_532 = arith.constant 0 : i32
      %ne3A_533 = arith.cmpi ne, %rem3A, %ne3A_532 : i32
      %and3A_534 = arith.andi %ne3A, %ne3A_533 : i1
      %sub3A_535 = arith.constant 1 : i32
      %sub3A_536 = arith.subi %div3A, %sub3A_535 : i32
      %select_n3A_537 = arith.select %and3A_534, %sub3A_536, %div3A : i32
      %add3A_538 = arith.constant 1 : i32
      %add3A_539 = arith.addi %select_n3A_537, %add3A_538 : i32
      %parallel_loop3A = arith.constant 32 : i32
      %parallel_loop3A_540 = arith.constant 1 : i32
      %parallel_loop3A_541:8 = scf.for %parallel_loop3A_542 = %add3A_539 to %parallel_loop3A step %parallel_loop3A_540 iter_args(%parallel_loop3A_543 = %add3A_111, %parallel_loop3A_544 = %add3A_169, %parallel_loop3A_545 = %add3A_227, %parallel_loop3A_546 = %add3A_285, %parallel_loop3A_547 = %add3A_343, %parallel_loop3A_548 = %add3A_401, %parallel_loop3A_549 = %add3A_459, %parallel_loop3A_550 = %add3A_517) -> (vector<16xf32>, vector<16xf32>, vector<16xf32>, vector<16xf32>, vector<16xf32>, vector<16xf32>, vector<16xf32>, vector<16xf32>)  : i32 {
        %parallel_loop3A_551 = arith.constant 128 : i32
        %parallel_loop3A_552 = arith.muli %parallel_loop3A_542, %parallel_loop3A_551 : i32
        %parallel_loop3A_553 = arith.constant 0 : i32
        %parallel_loop3A_554 = arith.addi %parallel_loop3A_552, %parallel_loop3A_553 : i32
        %parallel_loop3A_555 = arith.index_cast %parallel_loop3A_554 : i32 to index
        %parallel_loop3A_556 = tpu.vector_load %arg5[%parallel_loop3A_555] {strides = array<i32>} : memref<4096xf32, #tpu.memory_space<vmem>>, vector<16xf32>,
        %parallel_loop3A_557 = vector.shape_cast %parallel_loop3A_556 : vector<16xf32> to vector<16xf32>
        %parallel_loop3A_558 = arith.constant 0 : i32
        %parallel_loop3A_559 = arith.addi %parallel_loop3A_552, %parallel_loop3A_558 : i32
        %parallel_loop3A_560 = arith.index_cast %parallel_loop3A_559 : i32 to index
        %parallel_loop3A_561 = tpu.vector_load %arg6[%parallel_loop3A_560] {strides = array<i32>} : memref<4096xf32, #tpu.memory_space<vmem>>, vector<16xf32>,
        %parallel_loop3A_562 = vector.shape_cast %parallel_loop3A_561 : vector<16xf32> to vector<16xf32>
        %parallel_loop3A_563 = arith.subf %gather3A_50, %parallel_loop3A_557 : vector<16xf32>
        %parallel_loop3A_564 = arith.subf %gather3A_53, %parallel_loop3A_562 : vector<16xf32>
        %parallel_loop3A_565 = arith.constant 0.000000e+00 : f32
        %parallel_loop3A_566 = vector.broadcast %parallel_loop3A_565 : f32 to vector<16xf32>
        %parallel_loop3A_567 = arith.cmpf ogt, %parallel_loop3A_564, %parallel_loop3A_566 : vector<16xf32>
        %parallel_loop3A_568 = arith.constant 0.000000e+00 : f32
        %parallel_loop3A_569 = vector.broadcast %parallel_loop3A_568 : f32 to vector<16xf32>
        %parallel_loop3A_570 = arith.select %parallel_loop3A_567, %parallel_loop3A_563, %parallel_loop3A_569 : vector<16xi1>, vector<16xf32>
        %parallel_loop3A_571 = math.absf %parallel_loop3A_563 : vector<16xf32>
        %parallel_loop3A_572 = arith.constant 0.000000e+00 : f32
        %parallel_loop3A_573 = vector.broadcast %parallel_loop3A_572 : f32 to vector<16xf32>
        %parallel_loop3A_574 = arith.subf %parallel_loop3A_573, %parallel_loop3A_571 : vector<16xf32>
        %parallel_loop3A_575 = math.exp %parallel_loop3A_574 : vector<16xf32>
        %parallel_loop3A_576 = arith.constant 5.000000e-01 : f32
        %parallel_loop3A_577 = vector.broadcast %parallel_loop3A_576 : f32 to vector<16xf32>
        %parallel_loop3A_578 = arith.mulf %parallel_loop3A_577, %parallel_loop3A_571 : vector<16xf32>
        %parallel_loop3A_579 = arith.constant -0.0548622571 : f32
        %parallel_loop3A_580 = vector.broadcast %parallel_loop3A_579 : f32 to vector<16xf32>
        %parallel_loop3A_581 = arith.mulf %parallel_loop3A_580, %parallel_loop3A_575 : vector<16xf32>
        %parallel_loop3A_582 = arith.constant 0.216408402 : f32
        %parallel_loop3A_583 = vector.broadcast %parallel_loop3A_582 : f32 to vector<16xf32>
        %parallel_loop3A_584 = arith.addf %parallel_loop3A_581, %parallel_loop3A_583 : vector<16xf32>
        %parallel_loop3A_585 = arith.mulf %parallel_loop3A_584, %parallel_loop3A_575 : vector<16xf32>
        %parallel_loop3A_586 = arith.constant -0.464070499 : f32
        %parallel_loop3A_587 = vector.broadcast %parallel_loop3A_586 : f32 to vector<16xf32>
        %parallel_loop3A_588 = arith.addf %parallel_loop3A_585, %parallel_loop3A_587 : vector<16xf32>
        %parallel_loop3A_589 = arith.mulf %parallel_loop3A_588, %parallel_loop3A_575 : vector<16xf32>
        %parallel_loop3A_590 = arith.constant 0.995426595 : f32
        %parallel_loop3A_591 = vector.broadcast %parallel_loop3A_590 : f32 to vector<16xf32>
        %parallel_loop3A_592 = arith.addf %parallel_loop3A_589, %parallel_loop3A_591 : vector<16xf32>
        %parallel_loop3A_593 = arith.mulf %parallel_loop3A_592, %parallel_loop3A_575 : vector<16xf32>
        %parallel_loop3A_594 = arith.constant 1.41586977E-4 : f32
        %parallel_loop3A_595 = vector.broadcast %parallel_loop3A_594 : f32 to vector<16xf32>
        %parallel_loop3A_596 = arith.addf %parallel_loop3A_593, %parallel_loop3A_595 : vector<16xf32>
        %parallel_loop3A_597 = arith.addf %parallel_loop3A_578, %parallel_loop3A_596 : vector<16xf32>
        %parallel_loop3A_598 = arith.subf %parallel_loop3A_597, %parallel_loop3A_570 : vector<16xf32>
        %parallel_loop3A_599 = arith.addf %parallel_loop3A_543, %parallel_loop3A_598 : vector<16xf32>
        %parallel_loop3A_600 = arith.constant 16 : i32
        %parallel_loop3A_601 = arith.addi %parallel_loop3A_552, %parallel_loop3A_600 : i32
        %parallel_loop3A_602 = arith.index_cast %parallel_loop3A_601 : i32 to index
        %parallel_loop3A_603 = tpu.vector_load %arg5[%parallel_loop3A_602] {strides = array<i32>} : memref<4096xf32, #tpu.memory_space<vmem>>, vector<16xf32>,
        %parallel_loop3A_604 = vector.shape_cast %parallel_loop3A_603 : vector<16xf32> to vector<16xf32>
        %parallel_loop3A_605 = arith.constant 16 : i32
        %parallel_loop3A_606 = arith.addi %parallel_loop3A_552, %parallel_loop3A_605 : i32
        %parallel_loop3A_607 = arith.index_cast %parallel_loop3A_606 : i32 to index
        %parallel_loop3A_608 = tpu.vector_load %arg6[%parallel_loop3A_607] {strides = array<i32>} : memref<4096xf32, #tpu.memory_space<vmem>>, vector<16xf32>,
        %parallel_loop3A_609 = vector.shape_cast %parallel_loop3A_608 : vector<16xf32> to vector<16xf32>
        %parallel_loop3A_610 = arith.subf %gather3A_50, %parallel_loop3A_604 : vector<16xf32>
        %parallel_loop3A_611 = arith.subf %gather3A_53, %parallel_loop3A_609 : vector<16xf32>
        %parallel_loop3A_612 = arith.constant 0.000000e+00 : f32
        %parallel_loop3A_613 = vector.broadcast %parallel_loop3A_612 : f32 to vector<16xf32>
        %parallel_loop3A_614 = arith.cmpf ogt, %parallel_loop3A_611, %parallel_loop3A_613 : vector<16xf32>
        %parallel_loop3A_615 = arith.constant 0.000000e+00 : f32
        %parallel_loop3A_616 = vector.broadcast %parallel_loop3A_615 : f32 to vector<16xf32>
        %parallel_loop3A_617 = arith.select %parallel_loop3A_614, %parallel_loop3A_610, %parallel_loop3A_616 : vector<16xi1>, vector<16xf32>
        %parallel_loop3A_618 = math.absf %parallel_loop3A_610 : vector<16xf32>
        %parallel_loop3A_619 = arith.constant 0.000000e+00 : f32
        %parallel_loop3A_620 = vector.broadcast %parallel_loop3A_619 : f32 to vector<16xf32>
        %parallel_loop3A_621 = arith.subf %parallel_loop3A_620, %parallel_loop3A_618 : vector<16xf32>
        %parallel_loop3A_622 = math.exp %parallel_loop3A_621 : vector<16xf32>
        %parallel_loop3A_623 = arith.constant 5.000000e-01 : f32
        %parallel_loop3A_624 = vector.broadcast %parallel_loop3A_623 : f32 to vector<16xf32>
        %parallel_loop3A_625 = arith.mulf %parallel_loop3A_624, %parallel_loop3A_618 : vector<16xf32>
        %parallel_loop3A_626 = arith.constant -0.0548622571 : f32
        %parallel_loop3A_627 = vector.broadcast %parallel_loop3A_626 : f32 to vector<16xf32>
        %parallel_loop3A_628 = arith.mulf %parallel_loop3A_627, %parallel_loop3A_622 : vector<16xf32>
        %parallel_loop3A_629 = arith.constant 0.216408402 : f32
        %parallel_loop3A_630 = vector.broadcast %parallel_loop3A_629 : f32 to vector<16xf32>
        %parallel_loop3A_631 = arith.addf %parallel_loop3A_628, %parallel_loop3A_630 : vector<16xf32>
        %parallel_loop3A_632 = arith.mulf %parallel_loop3A_631, %parallel_loop3A_622 : vector<16xf32>
        %parallel_loop3A_633 = arith.constant -0.464070499 : f32
        %parallel_loop3A_634 = vector.broadcast %parallel_loop3A_633 : f32 to vector<16xf32>
        %parallel_loop3A_635 = arith.addf %parallel_loop3A_632, %parallel_loop3A_634 : vector<16xf32>
        %parallel_loop3A_636 = arith.mulf %parallel_loop3A_635, %parallel_loop3A_622 : vector<16xf32>
        %parallel_loop3A_637 = arith.constant 0.995426595 : f32
        %parallel_loop3A_638 = vector.broadcast %parallel_loop3A_637 : f32 to vector<16xf32>
        %parallel_loop3A_639 = arith.addf %parallel_loop3A_636, %parallel_loop3A_638 : vector<16xf32>
        %parallel_loop3A_640 = arith.mulf %parallel_loop3A_639, %parallel_loop3A_622 : vector<16xf32>
        %parallel_loop3A_641 = arith.constant 1.41586977E-4 : f32
        %parallel_loop3A_642 = vector.broadcast %parallel_loop3A_641 : f32 to vector<16xf32>
        %parallel_loop3A_643 = arith.addf %parallel_loop3A_640, %parallel_loop3A_642 : vector<16xf32>
        %parallel_loop3A_644 = arith.addf %parallel_loop3A_625, %parallel_loop3A_643 : vector<16xf32>
        %parallel_loop3A_645 = arith.subf %parallel_loop3A_644, %parallel_loop3A_617 : vector<16xf32>
        %parallel_loop3A_646 = arith.addf %parallel_loop3A_544, %parallel_loop3A_645 : vector<16xf32>
        %parallel_loop3A_647 = arith.constant 32 : i32
        %parallel_loop3A_648 = arith.addi %parallel_loop3A_552, %parallel_loop3A_647 : i32
        %parallel_loop3A_649 = arith.index_cast %parallel_loop3A_648 : i32 to index
        %parallel_loop3A_650 = tpu.vector_load %arg5[%parallel_loop3A_649] {strides = array<i32>} : memref<4096xf32, #tpu.memory_space<vmem>>, vector<16xf32>,
        %parallel_loop3A_651 = vector.shape_cast %parallel_loop3A_650 : vector<16xf32> to vector<16xf32>
        %parallel_loop3A_652 = arith.constant 32 : i32
        %parallel_loop3A_653 = arith.addi %parallel_loop3A_552, %parallel_loop3A_652 : i32
        %parallel_loop3A_654 = arith.index_cast %parallel_loop3A_653 : i32 to index
        %parallel_loop3A_655 = tpu.vector_load %arg6[%parallel_loop3A_654] {strides = array<i32>} : memref<4096xf32, #tpu.memory_space<vmem>>, vector<16xf32>,
        %parallel_loop3A_656 = vector.shape_cast %parallel_loop3A_655 : vector<16xf32> to vector<16xf32>
        %parallel_loop3A_657 = arith.subf %gather3A_50, %parallel_loop3A_651 : vector<16xf32>
        %parallel_loop3A_658 = arith.subf %gather3A_53, %parallel_loop3A_656 : vector<16xf32>
        %parallel_loop3A_659 = arith.constant 0.000000e+00 : f32
        %parallel_loop3A_660 = vector.broadcast %parallel_loop3A_659 : f32 to vector<16xf32>
        %parallel_loop3A_661 = arith.cmpf ogt, %parallel_loop3A_658, %parallel_loop3A_660 : vector<16xf32>
        %parallel_loop3A_662 = arith.constant 0.000000e+00 : f32
        %parallel_loop3A_663 = vector.broadcast %parallel_loop3A_662 : f32 to vector<16xf32>
        %parallel_loop3A_664 = arith.select %parallel_loop3A_661, %parallel_loop3A_657, %parallel_loop3A_663 : vector<16xi1>, vector<16xf32>
        %parallel_loop3A_665 = math.absf %parallel_loop3A_657 : vector<16xf32>
        %parallel_loop3A_666 = arith.constant 0.000000e+00 : f32
        %parallel_loop3A_667 = vector.broadcast %parallel_loop3A_666 : f32 to vector<16xf32>
        %parallel_loop3A_668 = arith.subf %parallel_loop3A_667, %parallel_loop3A_665 : vector<16xf32>
        %parallel_loop3A_669 = math.exp %parallel_loop3A_668 : vector<16xf32>
        %parallel_loop3A_670 = arith.constant 5.000000e-01 : f32
        %parallel_loop3A_671 = vector.broadcast %parallel_loop3A_670 : f32 to vector<16xf32>
        %parallel_loop3A_672 = arith.mulf %parallel_loop3A_671, %parallel_loop3A_665 : vector<16xf32>
        %parallel_loop3A_673 = arith.constant -0.0548622571 : f32
        %parallel_loop3A_674 = vector.broadcast %parallel_loop3A_673 : f32 to vector<16xf32>
        %parallel_loop3A_675 = arith.mulf %parallel_loop3A_674, %parallel_loop3A_669 : vector<16xf32>
        %parallel_loop3A_676 = arith.constant 0.216408402 : f32
        %parallel_loop3A_677 = vector.broadcast %parallel_loop3A_676 : f32 to vector<16xf32>
        %parallel_loop3A_678 = arith.addf %parallel_loop3A_675, %parallel_loop3A_677 : vector<16xf32>
        %parallel_loop3A_679 = arith.mulf %parallel_loop3A_678, %parallel_loop3A_669 : vector<16xf32>
        %parallel_loop3A_680 = arith.constant -0.464070499 : f32
        %parallel_loop3A_681 = vector.broadcast %parallel_loop3A_680 : f32 to vector<16xf32>
        %parallel_loop3A_682 = arith.addf %parallel_loop3A_679, %parallel_loop3A_681 : vector<16xf32>
        %parallel_loop3A_683 = arith.mulf %parallel_loop3A_682, %parallel_loop3A_669 : vector<16xf32>
        %parallel_loop3A_684 = arith.constant 0.995426595 : f32
        %parallel_loop3A_685 = vector.broadcast %parallel_loop3A_684 : f32 to vector<16xf32>
        %parallel_loop3A_686 = arith.addf %parallel_loop3A_683, %parallel_loop3A_685 : vector<16xf32>
        %parallel_loop3A_687 = arith.mulf %parallel_loop3A_686, %parallel_loop3A_669 : vector<16xf32>
        %parallel_loop3A_688 = arith.constant 1.41586977E-4 : f32
        %parallel_loop3A_689 = vector.broadcast %parallel_loop3A_688 : f32 to vector<16xf32>
        %parallel_loop3A_690 = arith.addf %parallel_loop3A_687, %parallel_loop3A_689 : vector<16xf32>
        %parallel_loop3A_691 = arith.addf %parallel_loop3A_672, %parallel_loop3A_690 : vector<16xf32>
        %parallel_loop3A_692 = arith.subf %parallel_loop3A_691, %parallel_loop3A_664 : vector<16xf32>
        %parallel_loop3A_693 = arith.addf %parallel_loop3A_545, %parallel_loop3A_692 : vector<16xf32>
        %parallel_loop3A_694 = arith.constant 48 : i32
        %parallel_loop3A_695 = arith.addi %parallel_loop3A_552, %parallel_loop3A_694 : i32
        %parallel_loop3A_696 = arith.index_cast %parallel_loop3A_695 : i32 to index
        %parallel_loop3A_697 = tpu.vector_load %arg5[%parallel_loop3A_696] {strides = array<i32>} : memref<4096xf32, #tpu.memory_space<vmem>>, vector<16xf32>,
        %parallel_loop3A_698 = vector.shape_cast %parallel_loop3A_697 : vector<16xf32> to vector<16xf32>
        %parallel_loop3A_699 = arith.constant 48 : i32
        %parallel_loop3A_700 = arith.addi %parallel_loop3A_552, %parallel_loop3A_699 : i32
        %parallel_loop3A_701 = arith.index_cast %parallel_loop3A_700 : i32 to index
        %parallel_loop3A_702 = tpu.vector_load %arg6[%parallel_loop3A_701] {strides = array<i32>} : memref<4096xf32, #tpu.memory_space<vmem>>, vector<16xf32>,
        %parallel_loop3A_703 = vector.shape_cast %parallel_loop3A_702 : vector<16xf32> to vector<16xf32>
        %parallel_loop3A_704 = arith.subf %gather3A_50, %parallel_loop3A_698 : vector<16xf32>
        %parallel_loop3A_705 = arith.subf %gather3A_53, %parallel_loop3A_703 : vector<16xf32>
        %parallel_loop3A_706 = arith.constant 0.000000e+00 : f32
        %parallel_loop3A_707 = vector.broadcast %parallel_loop3A_706 : f32 to vector<16xf32>
        %parallel_loop3A_708 = arith.cmpf ogt, %parallel_loop3A_705, %parallel_loop3A_707 : vector<16xf32>
        %parallel_loop3A_709 = arith.constant 0.000000e+00 : f32
        %parallel_loop3A_710 = vector.broadcast %parallel_loop3A_709 : f32 to vector<16xf32>
        %parallel_loop3A_711 = arith.select %parallel_loop3A_708, %parallel_loop3A_704, %parallel_loop3A_710 : vector<16xi1>, vector<16xf32>
        %parallel_loop3A_712 = math.absf %parallel_loop3A_704 : vector<16xf32>
        %parallel_loop3A_713 = arith.constant 0.000000e+00 : f32
        %parallel_loop3A_714 = vector.broadcast %parallel_loop3A_713 : f32 to vector<16xf32>
        %parallel_loop3A_715 = arith.subf %parallel_loop3A_714, %parallel_loop3A_712 : vector<16xf32>
        %parallel_loop3A_716 = math.exp %parallel_loop3A_715 : vector<16xf32>
        %parallel_loop3A_717 = arith.constant 5.000000e-01 : f32
        %parallel_loop3A_718 = vector.broadcast %parallel_loop3A_717 : f32 to vector<16xf32>
        %parallel_loop3A_719 = arith.mulf %parallel_loop3A_718, %parallel_loop3A_712 : vector<16xf32>
        %parallel_loop3A_720 = arith.constant -0.0548622571 : f32
        %parallel_loop3A_721 = vector.broadcast %parallel_loop3A_720 : f32 to vector<16xf32>
        %parallel_loop3A_722 = arith.mulf %parallel_loop3A_721, %parallel_loop3A_716 : vector<16xf32>
        %parallel_loop3A_723 = arith.constant 0.216408402 : f32
        %parallel_loop3A_724 = vector.broadcast %parallel_loop3A_723 : f32 to vector<16xf32>
        %parallel_loop3A_725 = arith.addf %parallel_loop3A_722, %parallel_loop3A_724 : vector<16xf32>
        %parallel_loop3A_726 = arith.mulf %parallel_loop3A_725, %parallel_loop3A_716 : vector<16xf32>
        %parallel_loop3A_727 = arith.constant -0.464070499 : f32
        %parallel_loop3A_728 = vector.broadcast %parallel_loop3A_727 : f32 to vector<16xf32>
        %parallel_loop3A_729 = arith.addf %parallel_loop3A_726, %parallel_loop3A_728 : vector<16xf32>
        %parallel_loop3A_730 = arith.mulf %parallel_loop3A_729, %parallel_loop3A_716 : vector<16xf32>
        %parallel_loop3A_731 = arith.constant 0.995426595 : f32
        %parallel_loop3A_732 = vector.broadcast %parallel_loop3A_731 : f32 to vector<16xf32>
        %parallel_loop3A_733 = arith.addf %parallel_loop3A_730, %parallel_loop3A_732 : vector<16xf32>
        %parallel_loop3A_734 = arith.mulf %parallel_loop3A_733, %parallel_loop3A_716 : vector<16xf32>
        %parallel_loop3A_735 = arith.constant 1.41586977E-4 : f32
        %parallel_loop3A_736 = vector.broadcast %parallel_loop3A_735 : f32 to vector<16xf32>
        %parallel_loop3A_737 = arith.addf %parallel_loop3A_734, %parallel_loop3A_736 : vector<16xf32>
        %parallel_loop3A_738 = arith.addf %parallel_loop3A_719, %parallel_loop3A_737 : vector<16xf32>
        %parallel_loop3A_739 = arith.subf %parallel_loop3A_738, %parallel_loop3A_711 : vector<16xf32>
        %parallel_loop3A_740 = arith.addf %parallel_loop3A_546, %parallel_loop3A_739 : vector<16xf32>
        %parallel_loop3A_741 = arith.constant 64 : i32
        %parallel_loop3A_742 = arith.addi %parallel_loop3A_552, %parallel_loop3A_741 : i32
        %parallel_loop3A_743 = arith.index_cast %parallel_loop3A_742 : i32 to index
        %parallel_loop3A_744 = tpu.vector_load %arg5[%parallel_loop3A_743] {strides = array<i32>} : memref<4096xf32, #tpu.memory_space<vmem>>, vector<16xf32>,
        %parallel_loop3A_745 = vector.shape_cast %parallel_loop3A_744 : vector<16xf32> to vector<16xf32>
        %parallel_loop3A_746 = arith.constant 64 : i32
        %parallel_loop3A_747 = arith.addi %parallel_loop3A_552, %parallel_loop3A_746 : i32
        %parallel_loop3A_748 = arith.index_cast %parallel_loop3A_747 : i32 to index
        %parallel_loop3A_749 = tpu.vector_load %arg6[%parallel_loop3A_748] {strides = array<i32>} : memref<4096xf32, #tpu.memory_space<vmem>>, vector<16xf32>,
        %parallel_loop3A_750 = vector.shape_cast %parallel_loop3A_749 : vector<16xf32> to vector<16xf32>
        %parallel_loop3A_751 = arith.subf %gather3A_50, %parallel_loop3A_745 : vector<16xf32>
        %parallel_loop3A_752 = arith.subf %gather3A_53, %parallel_loop3A_750 : vector<16xf32>
        %parallel_loop3A_753 = arith.constant 0.000000e+00 : f32
        %parallel_loop3A_754 = vector.broadcast %parallel_loop3A_753 : f32 to vector<16xf32>
        %parallel_loop3A_755 = arith.cmpf ogt, %parallel_loop3A_752, %parallel_loop3A_754 : vector<16xf32>
        %parallel_loop3A_756 = arith.constant 0.000000e+00 : f32
        %parallel_loop3A_757 = vector.broadcast %parallel_loop3A_756 : f32 to vector<16xf32>
        %parallel_loop3A_758 = arith.select %parallel_loop3A_755, %parallel_loop3A_751, %parallel_loop3A_757 : vector<16xi1>, vector<16xf32>
        %parallel_loop3A_759 = math.absf %parallel_loop3A_751 : vector<16xf32>
        %parallel_loop3A_760 = arith.constant 0.000000e+00 : f32
        %parallel_loop3A_761 = vector.broadcast %parallel_loop3A_760 : f32 to vector<16xf32>
        %parallel_loop3A_762 = arith.subf %parallel_loop3A_761, %parallel_loop3A_759 : vector<16xf32>
        %parallel_loop3A_763 = math.exp %parallel_loop3A_762 : vector<16xf32>
        %parallel_loop3A_764 = arith.constant 5.000000e-01 : f32
        %parallel_loop3A_765 = vector.broadcast %parallel_loop3A_764 : f32 to vector<16xf32>
        %parallel_loop3A_766 = arith.mulf %parallel_loop3A_765, %parallel_loop3A_759 : vector<16xf32>
        %parallel_loop3A_767 = arith.constant -0.0548622571 : f32
        %parallel_loop3A_768 = vector.broadcast %parallel_loop3A_767 : f32 to vector<16xf32>
        %parallel_loop3A_769 = arith.mulf %parallel_loop3A_768, %parallel_loop3A_763 : vector<16xf32>
        %parallel_loop3A_770 = arith.constant 0.216408402 : f32
        %parallel_loop3A_771 = vector.broadcast %parallel_loop3A_770 : f32 to vector<16xf32>
        %parallel_loop3A_772 = arith.addf %parallel_loop3A_769, %parallel_loop3A_771 : vector<16xf32>
        %parallel_loop3A_773 = arith.mulf %parallel_loop3A_772, %parallel_loop3A_763 : vector<16xf32>
        %parallel_loop3A_774 = arith.constant -0.464070499 : f32
        %parallel_loop3A_775 = vector.broadcast %parallel_loop3A_774 : f32 to vector<16xf32>
        %parallel_loop3A_776 = arith.addf %parallel_loop3A_773, %parallel_loop3A_775 : vector<16xf32>
        %parallel_loop3A_777 = arith.mulf %parallel_loop3A_776, %parallel_loop3A_763 : vector<16xf32>
        %parallel_loop3A_778 = arith.constant 0.995426595 : f32
        %parallel_loop3A_779 = vector.broadcast %parallel_loop3A_778 : f32 to vector<16xf32>
        %parallel_loop3A_780 = arith.addf %parallel_loop3A_777, %parallel_loop3A_779 : vector<16xf32>
        %parallel_loop3A_781 = arith.mulf %parallel_loop3A_780, %parallel_loop3A_763 : vector<16xf32>
        %parallel_loop3A_782 = arith.constant 1.41586977E-4 : f32
        %parallel_loop3A_783 = vector.broadcast %parallel_loop3A_782 : f32 to vector<16xf32>
        %parallel_loop3A_784 = arith.addf %parallel_loop3A_781, %parallel_loop3A_783 : vector<16xf32>
        %parallel_loop3A_785 = arith.addf %parallel_loop3A_766, %parallel_loop3A_784 : vector<16xf32>
        %parallel_loop3A_786 = arith.subf %parallel_loop3A_785, %parallel_loop3A_758 : vector<16xf32>
        %parallel_loop3A_787 = arith.addf %parallel_loop3A_547, %parallel_loop3A_786 : vector<16xf32>
        %parallel_loop3A_788 = arith.constant 80 : i32
        %parallel_loop3A_789 = arith.addi %parallel_loop3A_552, %parallel_loop3A_788 : i32
        %parallel_loop3A_790 = arith.index_cast %parallel_loop3A_789 : i32 to index
        %parallel_loop3A_791 = tpu.vector_load %arg5[%parallel_loop3A_790] {strides = array<i32>} : memref<4096xf32, #tpu.memory_space<vmem>>, vector<16xf32>,
        %parallel_loop3A_792 = vector.shape_cast %parallel_loop3A_791 : vector<16xf32> to vector<16xf32>
        %parallel_loop3A_793 = arith.constant 80 : i32
        %parallel_loop3A_794 = arith.addi %parallel_loop3A_552, %parallel_loop3A_793 : i32
        %parallel_loop3A_795 = arith.index_cast %parallel_loop3A_794 : i32 to index
        %parallel_loop3A_796 = tpu.vector_load %arg6[%parallel_loop3A_795] {strides = array<i32>} : memref<4096xf32, #tpu.memory_space<vmem>>, vector<16xf32>,
        %parallel_loop3A_797 = vector.shape_cast %parallel_loop3A_796 : vector<16xf32> to vector<16xf32>
        %parallel_loop3A_798 = arith.subf %gather3A_50, %parallel_loop3A_792 : vector<16xf32>
        %parallel_loop3A_799 = arith.subf %gather3A_53, %parallel_loop3A_797 : vector<16xf32>
        %parallel_loop3A_800 = arith.constant 0.000000e+00 : f32
        %parallel_loop3A_801 = vector.broadcast %parallel_loop3A_800 : f32 to vector<16xf32>
        %parallel_loop3A_802 = arith.cmpf ogt, %parallel_loop3A_799, %parallel_loop3A_801 : vector<16xf32>
        %parallel_loop3A_803 = arith.constant 0.000000e+00 : f32
        %parallel_loop3A_804 = vector.broadcast %parallel_loop3A_803 : f32 to vector<16xf32>
        %parallel_loop3A_805 = arith.select %parallel_loop3A_802, %parallel_loop3A_798, %parallel_loop3A_804 : vector<16xi1>, vector<16xf32>
        %parallel_loop3A_806 = math.absf %parallel_loop3A_798 : vector<16xf32>
        %parallel_loop3A_807 = arith.constant 0.000000e+00 : f32
        %parallel_loop3A_808 = vector.broadcast %parallel_loop3A_807 : f32 to vector<16xf32>
        %parallel_loop3A_809 = arith.subf %parallel_loop3A_808, %parallel_loop3A_806 : vector<16xf32>
        %parallel_loop3A_810 = math.exp %parallel_loop3A_809 : vector<16xf32>
        %parallel_loop3A_811 = arith.constant 5.000000e-01 : f32
        %parallel_loop3A_812 = vector.broadcast %parallel_loop3A_811 : f32 to vector<16xf32>
        %parallel_loop3A_813 = arith.mulf %parallel_loop3A_812, %parallel_loop3A_806 : vector<16xf32>
        %parallel_loop3A_814 = arith.constant -0.0548622571 : f32
        %parallel_loop3A_815 = vector.broadcast %parallel_loop3A_814 : f32 to vector<16xf32>
        %parallel_loop3A_816 = arith.mulf %parallel_loop3A_815, %parallel_loop3A_810 : vector<16xf32>
        %parallel_loop3A_817 = arith.constant 0.216408402 : f32
        %parallel_loop3A_818 = vector.broadcast %parallel_loop3A_817 : f32 to vector<16xf32>
        %parallel_loop3A_819 = arith.addf %parallel_loop3A_816, %parallel_loop3A_818 : vector<16xf32>
        %parallel_loop3A_820 = arith.mulf %parallel_loop3A_819, %parallel_loop3A_810 : vector<16xf32>
        %parallel_loop3A_821 = arith.constant -0.464070499 : f32
        %parallel_loop3A_822 = vector.broadcast %parallel_loop3A_821 : f32 to vector<16xf32>
        %parallel_loop3A_823 = arith.addf %parallel_loop3A_820, %parallel_loop3A_822 : vector<16xf32>
        %parallel_loop3A_824 = arith.mulf %parallel_loop3A_823, %parallel_loop3A_810 : vector<16xf32>
        %parallel_loop3A_825 = arith.constant 0.995426595 : f32
        %parallel_loop3A_826 = vector.broadcast %parallel_loop3A_825 : f32 to vector<16xf32>
        %parallel_loop3A_827 = arith.addf %parallel_loop3A_824, %parallel_loop3A_826 : vector<16xf32>
        %parallel_loop3A_828 = arith.mulf %parallel_loop3A_827, %parallel_loop3A_810 : vector<16xf32>
        %parallel_loop3A_829 = arith.constant 1.41586977E-4 : f32
        %parallel_loop3A_830 = vector.broadcast %parallel_loop3A_829 : f32 to vector<16xf32>
        %parallel_loop3A_831 = arith.addf %parallel_loop3A_828, %parallel_loop3A_830 : vector<16xf32>
        %parallel_loop3A_832 = arith.addf %parallel_loop3A_813, %parallel_loop3A_831 : vector<16xf32>
        %parallel_loop3A_833 = arith.subf %parallel_loop3A_832, %parallel_loop3A_805 : vector<16xf32>
        %parallel_loop3A_834 = arith.addf %parallel_loop3A_548, %parallel_loop3A_833 : vector<16xf32>
        %parallel_loop3A_835 = arith.constant 96 : i32
        %parallel_loop3A_836 = arith.addi %parallel_loop3A_552, %parallel_loop3A_835 : i32
        %parallel_loop3A_837 = arith.index_cast %parallel_loop3A_836 : i32 to index
        %parallel_loop3A_838 = tpu.vector_load %arg5[%parallel_loop3A_837] {strides = array<i32>} : memref<4096xf32, #tpu.memory_space<vmem>>, vector<16xf32>,
        %parallel_loop3A_839 = vector.shape_cast %parallel_loop3A_838 : vector<16xf32> to vector<16xf32>
        %parallel_loop3A_840 = arith.constant 96 : i32
        %parallel_loop3A_841 = arith.addi %parallel_loop3A_552, %parallel_loop3A_840 : i32
        %parallel_loop3A_842 = arith.index_cast %parallel_loop3A_841 : i32 to index
        %parallel_loop3A_843 = tpu.vector_load %arg6[%parallel_loop3A_842] {strides = array<i32>} : memref<4096xf32, #tpu.memory_space<vmem>>, vector<16xf32>,
        %parallel_loop3A_844 = vector.shape_cast %parallel_loop3A_843 : vector<16xf32> to vector<16xf32>
        %parallel_loop3A_845 = arith.subf %gather3A_50, %parallel_loop3A_839 : vector<16xf32>
        %parallel_loop3A_846 = arith.subf %gather3A_53, %parallel_loop3A_844 : vector<16xf32>
        %parallel_loop3A_847 = arith.constant 0.000000e+00 : f32
        %parallel_loop3A_848 = vector.broadcast %parallel_loop3A_847 : f32 to vector<16xf32>
        %parallel_loop3A_849 = arith.cmpf ogt, %parallel_loop3A_846, %parallel_loop3A_848 : vector<16xf32>
        %parallel_loop3A_850 = arith.constant 0.000000e+00 : f32
        %parallel_loop3A_851 = vector.broadcast %parallel_loop3A_850 : f32 to vector<16xf32>
        %parallel_loop3A_852 = arith.select %parallel_loop3A_849, %parallel_loop3A_845, %parallel_loop3A_851 : vector<16xi1>, vector<16xf32>
        %parallel_loop3A_853 = math.absf %parallel_loop3A_845 : vector<16xf32>
        %parallel_loop3A_854 = arith.constant 0.000000e+00 : f32
        %parallel_loop3A_855 = vector.broadcast %parallel_loop3A_854 : f32 to vector<16xf32>
        %parallel_loop3A_856 = arith.subf %parallel_loop3A_855, %parallel_loop3A_853 : vector<16xf32>
        %parallel_loop3A_857 = math.exp %parallel_loop3A_856 : vector<16xf32>
        %parallel_loop3A_858 = arith.constant 5.000000e-01 : f32
        %parallel_loop3A_859 = vector.broadcast %parallel_loop3A_858 : f32 to vector<16xf32>
        %parallel_loop3A_860 = arith.mulf %parallel_loop3A_859, %parallel_loop3A_853 : vector<16xf32>
        %parallel_loop3A_861 = arith.constant -0.0548622571 : f32
        %parallel_loop3A_862 = vector.broadcast %parallel_loop3A_861 : f32 to vector<16xf32>
        %parallel_loop3A_863 = arith.mulf %parallel_loop3A_862, %parallel_loop3A_857 : vector<16xf32>
        %parallel_loop3A_864 = arith.constant 0.216408402 : f32
        %parallel_loop3A_865 = vector.broadcast %parallel_loop3A_864 : f32 to vector<16xf32>
        %parallel_loop3A_866 = arith.addf %parallel_loop3A_863, %parallel_loop3A_865 : vector<16xf32>
        %parallel_loop3A_867 = arith.mulf %parallel_loop3A_866, %parallel_loop3A_857 : vector<16xf32>
        %parallel_loop3A_868 = arith.constant -0.464070499 : f32
        %parallel_loop3A_869 = vector.broadcast %parallel_loop3A_868 : f32 to vector<16xf32>
        %parallel_loop3A_870 = arith.addf %parallel_loop3A_867, %parallel_loop3A_869 : vector<16xf32>
        %parallel_loop3A_871 = arith.mulf %parallel_loop3A_870, %parallel_loop3A_857 : vector<16xf32>
        %parallel_loop3A_872 = arith.constant 0.995426595 : f32
        %parallel_loop3A_873 = vector.broadcast %parallel_loop3A_872 : f32 to vector<16xf32>
        %parallel_loop3A_874 = arith.addf %parallel_loop3A_871, %parallel_loop3A_873 : vector<16xf32>
        %parallel_loop3A_875 = arith.mulf %parallel_loop3A_874, %parallel_loop3A_857 : vector<16xf32>
        %parallel_loop3A_876 = arith.constant 1.41586977E-4 : f32
        %parallel_loop3A_877 = vector.broadcast %parallel_loop3A_876 : f32 to vector<16xf32>
        %parallel_loop3A_878 = arith.addf %parallel_loop3A_875, %parallel_loop3A_877 : vector<16xf32>
        %parallel_loop3A_879 = arith.addf %parallel_loop3A_860, %parallel_loop3A_878 : vector<16xf32>
        %parallel_loop3A_880 = arith.subf %parallel_loop3A_879, %parallel_loop3A_852 : vector<16xf32>
        %parallel_loop3A_881 = arith.addf %parallel_loop3A_549, %parallel_loop3A_880 : vector<16xf32>
        %parallel_loop3A_882 = arith.constant 112 : i32
        %parallel_loop3A_883 = arith.addi %parallel_loop3A_552, %parallel_loop3A_882 : i32
        %parallel_loop3A_884 = arith.index_cast %parallel_loop3A_883 : i32 to index
        %parallel_loop3A_885 = tpu.vector_load %arg5[%parallel_loop3A_884] {strides = array<i32>} : memref<4096xf32, #tpu.memory_space<vmem>>, vector<16xf32>,
        %parallel_loop3A_886 = vector.shape_cast %parallel_loop3A_885 : vector<16xf32> to vector<16xf32>
        %parallel_loop3A_887 = arith.constant 112 : i32
        %parallel_loop3A_888 = arith.addi %parallel_loop3A_552, %parallel_loop3A_887 : i32
        %parallel_loop3A_889 = arith.index_cast %parallel_loop3A_888 : i32 to index
        %parallel_loop3A_890 = tpu.vector_load %arg6[%parallel_loop3A_889] {strides = array<i32>} : memref<4096xf32, #tpu.memory_space<vmem>>, vector<16xf32>,
        %parallel_loop3A_891 = vector.shape_cast %parallel_loop3A_890 : vector<16xf32> to vector<16xf32>
        %parallel_loop3A_892 = arith.subf %gather3A_50, %parallel_loop3A_886 : vector<16xf32>
        %parallel_loop3A_893 = arith.subf %gather3A_53, %parallel_loop3A_891 : vector<16xf32>
        %parallel_loop3A_894 = arith.constant 0.000000e+00 : f32
        %parallel_loop3A_895 = vector.broadcast %parallel_loop3A_894 : f32 to vector<16xf32>
        %parallel_loop3A_896 = arith.cmpf ogt, %parallel_loop3A_893, %parallel_loop3A_895 : vector<16xf32>
        %parallel_loop3A_897 = arith.constant 0.000000e+00 : f32
        %parallel_loop3A_898 = vector.broadcast %parallel_loop3A_897 : f32 to vector<16xf32>
        %parallel_loop3A_899 = arith.select %parallel_loop3A_896, %parallel_loop3A_892, %parallel_loop3A_898 : vector<16xi1>, vector<16xf32>
        %parallel_loop3A_900 = math.absf %parallel_loop3A_892 : vector<16xf32>
        %parallel_loop3A_901 = arith.constant 0.000000e+00 : f32
        %parallel_loop3A_902 = vector.broadcast %parallel_loop3A_901 : f32 to vector<16xf32>
        %parallel_loop3A_903 = arith.subf %parallel_loop3A_902, %parallel_loop3A_900 : vector<16xf32>
        %parallel_loop3A_904 = math.exp %parallel_loop3A_903 : vector<16xf32>
        %parallel_loop3A_905 = arith.constant 5.000000e-01 : f32
        %parallel_loop3A_906 = vector.broadcast %parallel_loop3A_905 : f32 to vector<16xf32>
        %parallel_loop3A_907 = arith.mulf %parallel_loop3A_906, %parallel_loop3A_900 : vector<16xf32>
        %parallel_loop3A_908 = arith.constant -0.0548622571 : f32
        %parallel_loop3A_909 = vector.broadcast %parallel_loop3A_908 : f32 to vector<16xf32>
        %parallel_loop3A_910 = arith.mulf %parallel_loop3A_909, %parallel_loop3A_904 : vector<16xf32>
        %parallel_loop3A_911 = arith.constant 0.216408402 : f32
        %parallel_loop3A_912 = vector.broadcast %parallel_loop3A_911 : f32 to vector<16xf32>
        %parallel_loop3A_913 = arith.addf %parallel_loop3A_910, %parallel_loop3A_912 : vector<16xf32>
        %parallel_loop3A_914 = arith.mulf %parallel_loop3A_913, %parallel_loop3A_904 : vector<16xf32>
        %parallel_loop3A_915 = arith.constant -0.464070499 : f32
        %parallel_loop3A_916 = vector.broadcast %parallel_loop3A_915 : f32 to vector<16xf32>
        %parallel_loop3A_917 = arith.addf %parallel_loop3A_914, %parallel_loop3A_916 : vector<16xf32>
        %parallel_loop3A_918 = arith.mulf %parallel_loop3A_917, %parallel_loop3A_904 : vector<16xf32>
        %parallel_loop3A_919 = arith.constant 0.995426595 : f32
        %parallel_loop3A_920 = vector.broadcast %parallel_loop3A_919 : f32 to vector<16xf32>
        %parallel_loop3A_921 = arith.addf %parallel_loop3A_918, %parallel_loop3A_920 : vector<16xf32>
        %parallel_loop3A_922 = arith.mulf %parallel_loop3A_921, %parallel_loop3A_904 : vector<16xf32>
        %parallel_loop3A_923 = arith.constant 1.41586977E-4 : f32
        %parallel_loop3A_924 = vector.broadcast %parallel_loop3A_923 : f32 to vector<16xf32>
        %parallel_loop3A_925 = arith.addf %parallel_loop3A_922, %parallel_loop3A_924 : vector<16xf32>
        %parallel_loop3A_926 = arith.addf %parallel_loop3A_907, %parallel_loop3A_925 : vector<16xf32>
        %parallel_loop3A_927 = arith.subf %parallel_loop3A_926, %parallel_loop3A_899 : vector<16xf32>
        %parallel_loop3A_928 = arith.addf %parallel_loop3A_550, %parallel_loop3A_927 : vector<16xf32>
        scf.yield %parallel_loop3A_599, %parallel_loop3A_646, %parallel_loop3A_693, %parallel_loop3A_740, %parallel_loop3A_787, %parallel_loop3A_834, %parallel_loop3A_881, %parallel_loop3A_928 : vector<16xf32>, vector<16xf32>, vector<16xf32>, vector<16xf32>, vector<16xf32>, vector<16xf32>, vector<16xf32>, vector<16xf32>
      } {sc.loop_unroll_factor = 1 : i64, sc.parallel_access}
      scf.yield %parallel_loop3A_541#0, %parallel_loop3A_541#1, %parallel_loop3A_541#2, %parallel_loop3A_541#3, %parallel_loop3A_541#4, %parallel_loop3A_541#5, %parallel_loop3A_541#6, %parallel_loop3A_541#7 : vector<16xf32>, vector<16xf32>, vector<16xf32>, vector<16xf32>, vector<16xf32>, vector<16xf32>, vector<16xf32>, vector<16xf32>
    }
    %scan3A_6 = arith.constant 81 : i32
    %add3A_7 = arith.addf %scan3A_5#0, %scan3A_5#1 : vector<16xf32>
    %add3A_8 = arith.addf %add3A_7, %scan3A_5#2 : vector<16xf32>
    %add3A_9 = arith.addf %add3A_8, %scan3A_5#3 : vector<16xf32>
    %add3A_10 = arith.addf %add3A_9, %scan3A_5#4 : vector<16xf32>
    %add3A_11 = arith.addf %add3A_10, %scan3A_5#5 : vector<16xf32>
    %add3A_12 = arith.addf %add3A_11, %scan3A_5#6 : vector<16xf32>
    %add3A_13 = arith.addf %add3A_12, %scan3A_5#7 : vector<16xf32>
    %swap3A = arith.constant 0 : index
    %swap3A_14 = tpu.vector_load %arg7[%swap3A] {strides = array<i32>} : memref<16xf32, #tpu.memory_space<vmem>>, vector<16xf32>,
    %swap3A_15 = vector.shape_cast %swap3A_14 : vector<16xf32> to vector<16xf32>
    %swap3A_16 = vector.shape_cast %add3A_13 : vector<16xf32> to vector<16xf32>
    tpu.vector_store %arg7[%swap3A], %swap3A_16 {strides = array<i32>} : memref<16xf32, #tpu.memory_space<vmem>>, vector<16xf32>,
    %mul3A_17 = arith.constant 16 : i32
    %mul3A_18 = arith.muli %add3A, %mul3A_17 : i32
    "tpu.region"() ({
      %run_scoped3A = tpu.sem_alloc : memref<!tpu.dma_semaphore, #tpu.memory_space<semaphore_mem>>
      %dma_start3A = tpu.memref_slice %arg4[%mul3A_18] : memref<544xf32, #tpu.memory_space<hbm>> -> memref<16xf32, #tpu.memory_space<hbm>>
      %dma_start3A_21 = tpu.memref_slice %arg4[%mul3A_18] : memref<544xf32, #tpu.memory_space<hbm>> -> memref<16xf32, #tpu.memory_space<hbm>>
      tpu.enqueue_dma source(%arg7 : memref<16xf32, #tpu.memory_space<vmem>>) target(%dma_start3A_21 : memref<16xf32, #tpu.memory_space<hbm>>) target_semaphore(%run_scoped3A : memref<!tpu.dma_semaphore, #tpu.memory_space<semaphore_mem>>)
      %dma_wait3A = tpu.memref_slice %arg4[%mul3A_18] : memref<544xf32, #tpu.memory_space<hbm>> -> memref<16xf32, #tpu.memory_space<hbm>>
      %dma_wait3A_22 = tpu.memref_slice %arg4[%mul3A_18] : memref<544xf32, #tpu.memory_space<hbm>> -> memref<16xf32, #tpu.memory_space<hbm>>
      tpu.wait_dma2 semaphore(%run_scoped3A : memref<!tpu.dma_semaphore, #tpu.memory_space<semaphore_mem>>) src(%arg7 : memref<16xf32, #tpu.memory_space<vmem>>) dst(%dma_wait3A_22 : memref<16xf32, #tpu.memory_space<hbm>>)
      tpu.yield
    }) : () -> ()
    %eq3A = arith.constant 31 : i32
    %eq3A_19 = arith.cmpi eq, %add3A, %eq3A : i32
    %convert_element_type3A = arith.extui %eq3A_19 : i1 to i32
    %cond3A = arith.constant 0 : i32
    %cond3A_20 = arith.cmpi ne, %convert_element_type3A, %cond3A : i32
    scf.if %cond3A_20 {
      %scan3A_21 = arith.constant 0 : i32
      %scan3A_22 = arith.constant 256 : i32
      %scan3A_23 = arith.addi %scan3A_21, %scan3A_22 : i32
      %scan3A_24 = arith.constant 1 : i32
      %scan3A_25 = scf.for %scan3A_75 = %scan3A_21 to %scan3A_23 step %scan3A_24 iter_args(%scan3A_76 = %broadcast_in_dim3A_1) -> (vector<16xf32>)  : i32 {
        %mul3A_77 = arith.constant 16 : i32
        %mul3A_78 = arith.muli %scan3A_75, %mul3A_77 : i32
        %get3A = arith.index_cast %mul3A_78 : i32 to index
        %get3A_79 = tpu.vector_load %arg6[%get3A] {strides = array<i32>} : memref<4096xf32, #tpu.memory_space<vmem>>, vector<16xf32>,
        %get3A_80 = vector.shape_cast %get3A_79 : vector<16xf32> to vector<16xf32>
        %add3A_81 = arith.addf %scan3A_76, %get3A_80 : vector<16xf32>
        scf.yield %add3A_81 : vector<16xf32>
      }
      %scan3A_26 = arith.constant 256 : i32
      %xor3A = arith.constant 8 : i32
      %xor3A_27 = vector.broadcast %xor3A : i32 to vector<16xi32>
      %xor3A_28 = arith.xori %iota3A, %xor3A_27 : vector<16xi32>
      %broadcast_in_dim3A_29 = vector.shape_cast %xor3A_28 : vector<16xi32> to vector<16x1xi32>
      %gather3A = vector.shape_cast %broadcast_in_dim3A_29 : vector<16x1xi32> to vector<16xi32>
      %gather3A_30 = tpu.dynamic_gather %scan3A_25[%gather3A] in [0] : vector<16xf32>, vector<16xi32> -> vector<16xf32>
      %add3A_31 = arith.addf %scan3A_25, %gather3A_30 : vector<16xf32>
      %xor3A_32 = arith.constant 4 : i32
      %xor3A_33 = vector.broadcast %xor3A_32 : i32 to vector<16xi32>
      %xor3A_34 = arith.xori %iota3A, %xor3A_33 : vector<16xi32>
      %broadcast_in_dim3A_35 = vector.shape_cast %xor3A_34 : vector<16xi32> to vector<16x1xi32>
      %gather3A_36 = vector.shape_cast %broadcast_in_dim3A_35 : vector<16x1xi32> to vector<16xi32>
      %gather3A_37 = tpu.dynamic_gather %add3A_31[%gather3A_36] in [0] : vector<16xf32>, vector<16xi32> -> vector<16xf32>
      %add3A_38 = arith.addf %add3A_31, %gather3A_37 : vector<16xf32>
      %xor3A_39 = arith.constant 2 : i32
      %xor3A_40 = vector.broadcast %xor3A_39 : i32 to vector<16xi32>
      %xor3A_41 = arith.xori %iota3A, %xor3A_40 : vector<16xi32>
      %broadcast_in_dim3A_42 = vector.shape_cast %xor3A_41 : vector<16xi32> to vector<16x1xi32>
      %gather3A_43 = vector.shape_cast %broadcast_in_dim3A_42 : vector<16x1xi32> to vector<16xi32>
      %gather3A_44 = tpu.dynamic_gather %add3A_38[%gather3A_43] in [0] : vector<16xf32>, vector<16xi32> -> vector<16xf32>
      %add3A_45 = arith.addf %add3A_38, %gather3A_44 : vector<16xf32>
      %xor3A_46 = arith.constant 1 : i32
      %xor3A_47 = vector.broadcast %xor3A_46 : i32 to vector<16xi32>
      %xor3A_48 = arith.xori %iota3A, %xor3A_47 : vector<16xi32>
      %broadcast_in_dim3A_49 = vector.shape_cast %xor3A_48 : vector<16xi32> to vector<16x1xi32>
      %gather3A_50 = vector.shape_cast %broadcast_in_dim3A_49 : vector<16x1xi32> to vector<16xi32>
      %gather3A_51 = tpu.dynamic_gather %add3A_45[%gather3A_50] in [0] : vector<16xf32>, vector<16xi32> -> vector<16xf32>
      %add3A_52 = arith.addf %add3A_45, %gather3A_51 : vector<16xf32>
      %div3A = arith.constant 4.096000e+03 : f32
      %div3A_53 = vector.broadcast %div3A : f32 to vector<16xf32>
      %div3A_54 = arith.divf %add3A_52, %div3A_53 : vector<16xf32>
      %scan3A_55 = arith.constant 0 : i32
      %scan3A_56 = arith.constant 256 : i32
      %scan3A_57 = arith.addi %scan3A_55, %scan3A_56 : i32
      %scan3A_58 = arith.constant 1 : i32
      %scan3A_59 = scf.for %scan3A_75 = %scan3A_55 to %scan3A_57 step %scan3A_58 iter_args(%scan3A_76 = %broadcast_in_dim3A_1) -> (vector<16xf32>)  : i32 {
        %mul3A_77 = arith.constant 16 : i32
        %mul3A_78 = arith.muli %scan3A_75, %mul3A_77 : i32
        %get3A = arith.index_cast %mul3A_78 : i32 to index
        %get3A_79 = tpu.vector_load %arg6[%get3A] {strides = array<i32>} : memref<4096xf32, #tpu.memory_space<vmem>>, vector<16xf32>,
        %get3A_80 = vector.shape_cast %get3A_79 : vector<16xf32> to vector<16xf32>
        %sub3A = arith.subf %get3A_80, %div3A_54 : vector<16xf32>
        %mul3A_81 = arith.mulf %sub3A, %sub3A : vector<16xf32>
        %add3A_82 = arith.addf %scan3A_76, %mul3A_81 : vector<16xf32>
        scf.yield %add3A_82 : vector<16xf32>
      }
      %scan3A_60 = arith.constant 256 : i32
      %swap3A_61 = arith.constant 0 : index
      %swap3A_62 = tpu.vector_load %arg7[%swap3A_61] {strides = array<i32>} : memref<16xf32, #tpu.memory_space<vmem>>, vector<16xf32>,
      %swap3A_63 = vector.shape_cast %swap3A_62 : vector<16xf32> to vector<16xf32>
      %swap3A_64 = vector.shape_cast %scan3A_59 : vector<16xf32> to vector<16xf32>
      tpu.vector_store %arg7[%swap3A_61], %swap3A_64 {strides = array<i32>} : memref<16xf32, #tpu.memory_space<vmem>>, vector<16xf32>,
      "tpu.region"() ({
        %run_scoped3A = tpu.sem_alloc : memref<!tpu.dma_semaphore, #tpu.memory_space<semaphore_mem>>
        %dma_start3A = arith.constant 512 : i32
        %dma_start3A_75 = tpu.memref_slice %arg4[%dma_start3A] : memref<544xf32, #tpu.memory_space<hbm>> -> memref<16xf32, #tpu.memory_space<hbm>>
        %dma_start3A_76 = arith.constant 512 : i32
        %dma_start3A_77 = tpu.memref_slice %arg4[%dma_start3A_76] : memref<544xf32, #tpu.memory_space<hbm>> -> memref<16xf32, #tpu.memory_space<hbm>>
        tpu.enqueue_dma source(%arg7 : memref<16xf32, #tpu.memory_space<vmem>>) target(%dma_start3A_77 : memref<16xf32, #tpu.memory_space<hbm>>) target_semaphore(%run_scoped3A : memref<!tpu.dma_semaphore, #tpu.memory_space<semaphore_mem>>)
        %dma_wait3A = arith.constant 512 : i32
        %dma_wait3A_78 = tpu.memref_slice %arg4[%dma_wait3A] : memref<544xf32, #tpu.memory_space<hbm>> -> memref<16xf32, #tpu.memory_space<hbm>>
        %dma_wait3A_79 = arith.constant 512 : i32
        %dma_wait3A_80 = tpu.memref_slice %arg4[%dma_wait3A_79] : memref<544xf32, #tpu.memory_space<hbm>> -> memref<16xf32, #tpu.memory_space<hbm>>
        tpu.wait_dma2 semaphore(%run_scoped3A : memref<!tpu.dma_semaphore, #tpu.memory_space<semaphore_mem>>) src(%arg7 : memref<16xf32, #tpu.memory_space<vmem>>) dst(%dma_wait3A_80 : memref<16xf32, #tpu.memory_space<hbm>>)
        tpu.yield
      }) : () -> ()
      %scan3A_65 = arith.constant 0 : i32
      %scan3A_66 = arith.constant 256 : i32
      %scan3A_67 = arith.addi %scan3A_65, %scan3A_66 : i32
      %scan3A_68 = arith.constant 1 : i32
      %scan3A_69 = scf.for %scan3A_75 = %scan3A_65 to %scan3A_67 step %scan3A_68 iter_args(%scan3A_76 = %broadcast_in_dim3A_1) -> (vector<16xf32>)  : i32 {
        %mul3A_77 = arith.constant 16 : i32
        %mul3A_78 = arith.muli %scan3A_75, %mul3A_77 : i32
        %add3A_79 = vector.broadcast %mul3A_78 : i32 to vector<16xi32>
        %add3A_80 = arith.addi %iota3A, %add3A_79 : vector<16xi32>
        %mul3A_81 = arith.constant 2 : i32
        %mul3A_82 = vector.broadcast %mul3A_81 : i32 to vector<16xi32>
        %mul3A_83 = arith.muli %mul3A_82, %add3A_80 : vector<16xi32>
        %sub3A = arith.constant 4095 : i32
        %sub3A_84 = vector.broadcast %sub3A : i32 to vector<16xi32>
        %sub3A_85 = arith.subi %sub3A_84, %mul3A_83 : vector<16xi32>
        %convert_element_type3A_86 = arith.sitofp %sub3A_85 : vector<16xi32> to vector<16xf32>
        %mul3A_87 = arith.constant 16 : i32
        %mul3A_88 = arith.muli %scan3A_75, %mul3A_87 : i32
        %get3A = arith.index_cast %mul3A_88 : i32 to index
        %get3A_89 = tpu.vector_load %arg5[%get3A] {strides = array<i32>} : memref<4096xf32, #tpu.memory_space<vmem>>, vector<16xf32>,
        %get3A_90 = vector.shape_cast %get3A_89 : vector<16xf32> to vector<16xf32>
        %mul3A_91 = arith.mulf %convert_element_type3A_86, %get3A_90 : vector<16xf32>
        %add3A_92 = arith.addf %scan3A_76, %mul3A_91 : vector<16xf32>
        scf.yield %add3A_92 : vector<16xf32>
      }
      %scan3A_70 = arith.constant 256 : i32
      %swap3A_71 = arith.constant 0 : index
      %swap3A_72 = tpu.vector_load %arg7[%swap3A_71] {strides = array<i32>} : memref<16xf32, #tpu.memory_space<vmem>>, vector<16xf32>,
      %swap3A_73 = vector.shape_cast %swap3A_72 : vector<16xf32> to vector<16xf32>
      %swap3A_74 = vector.shape_cast %scan3A_69 : vector<16xf32> to vector<16xf32>
      tpu.vector_store %arg7[%swap3A_71], %swap3A_74 {strides = array<i32>} : memref<16xf32, #tpu.memory_space<vmem>>, vector<16xf32>,
      "tpu.region"() ({
        %run_scoped3A = tpu.sem_alloc : memref<!tpu.dma_semaphore, #tpu.memory_space<semaphore_mem>>
        %dma_start3A = arith.constant 528 : i32
        %dma_start3A_75 = tpu.memref_slice %arg4[%dma_start3A] : memref<544xf32, #tpu.memory_space<hbm>> -> memref<16xf32, #tpu.memory_space<hbm>>
        %dma_start3A_76 = arith.constant 528 : i32
        %dma_start3A_77 = tpu.memref_slice %arg4[%dma_start3A_76] : memref<544xf32, #tpu.memory_space<hbm>> -> memref<16xf32, #tpu.memory_space<hbm>>
        tpu.enqueue_dma source(%arg7 : memref<16xf32, #tpu.memory_space<vmem>>) target(%dma_start3A_77 : memref<16xf32, #tpu.memory_space<hbm>>) target_semaphore(%run_scoped3A : memref<!tpu.dma_semaphore, #tpu.memory_space<semaphore_mem>>)
        %dma_wait3A = arith.constant 528 : i32
        %dma_wait3A_78 = tpu.memref_slice %arg4[%dma_wait3A] : memref<544xf32, #tpu.memory_space<hbm>> -> memref<16xf32, #tpu.memory_space<hbm>>
        %dma_wait3A_79 = arith.constant 528 : i32
        %dma_wait3A_80 = tpu.memref_slice %arg4[%dma_wait3A_79] : memref<544xf32, #tpu.memory_space<hbm>> -> memref<16xf32, #tpu.memory_space<hbm>>
        tpu.wait_dma2 semaphore(%run_scoped3A : memref<!tpu.dma_semaphore, #tpu.memory_space<semaphore_mem>>) src(%arg7 : memref<16xf32, #tpu.memory_space<vmem>>) dst(%dma_wait3A_80 : memref<16xf32, #tpu.memory_space<hbm>>)
        tpu.yield
      }) : () -> ()
    } else {
    }
    return
  }
}

module attributes {stable_mosaic.version = 14 : i64} {
  func.func @tc_kernel(%arg0: i32, %arg1: memref<4096x1xf32, #tpu.memory_space<vmem>>, %arg2: memref<4096x1xf32, #tpu.memory_space<vmem>>, %arg3: memref<1x4096xf32, #tpu.memory_space<vmem>>, %arg4: memref<1x4096xf32, #tpu.memory_space<vmem>>, %arg5: memref<8x512xf32, #tpu.memory_space<vmem>>) attributes {dimension_semantics = [#tpu.dimension_semantics<arbitrary>], iteration_bounds = array<i64: 188>, scalar_prefetch = 0 : i64, scratch_operands = 0 : i64, tpu.core_type = #tpu.core_type<tc>, window_params = [{pipeline_mode = #tpu.pipeline_mode<synchronous>, transform_indices = @transform_0, window_bounds = array<i64: 4096, 1>}, {pipeline_mode = #tpu.pipeline_mode<synchronous>, transform_indices = @transform_1, window_bounds = array<i64: 4096, 1>}, {pipeline_mode = #tpu.pipeline_mode<synchronous>, transform_indices = @transform_2, window_bounds = array<i64: 1, 4096>}, {pipeline_mode = #tpu.pipeline_mode<synchronous>, transform_indices = @transform_3, window_bounds = array<i64: 1, 4096>}, {pipeline_mode = #tpu.pipeline_mode<synchronous>, transform_indices = @transform_4, window_bounds = array<i64: 8, 512>}]} {
    %mul3A = arith.constant 8 : i32
    %mul3A_0 = arith.muli %arg0, %mul3A : i32
    %get3A = arith.index_cast %mul3A_0 : i32 to index
    %get3A_1 = arith.constant 0 : index
    %get3A_2 = vector.load %arg1[%get3A, %get3A_1] : memref<4096x1xf32, #tpu.memory_space<vmem>>, vector<8x1xf32>
    %get3A_3 = arith.index_cast %mul3A_0 : i32 to index
    %get3A_4 = arith.constant 0 : index
    %get3A_5 = vector.load %arg2[%get3A_3, %get3A_4] : memref<4096x1xf32, #tpu.memory_space<vmem>>, vector<8x1xf32>
    %iota3A = tpu.iota {dimensions = array<i32: 0>} : vector<8x512xi32>
    %add3A = vector.broadcast %mul3A_0 : i32 to vector<8x512xi32>
    %add3A_6 = arith.addi %add3A, %iota3A : vector<8x512xi32>
    %eq3A = arith.constant 0 : i32
    %eq3A_7 = arith.cmpi eq, %arg0, %eq3A : i32
    %convert_element_type3A = arith.extui %eq3A_7 : i1 to i32
    %cond3A = arith.constant 0 : i32
    %cond3A_8 = arith.cmpi ne, %convert_element_type3A, %cond3A : i32
    scf.if %cond3A_8 {
      %broadcast_in_dim3A_446 = arith.constant 0.000000e+00 : f32
      %broadcast_in_dim3A_447 = vector.broadcast %broadcast_in_dim3A_446 : f32 to vector<8x512xf32>
      %swap3A_448 = arith.constant 0 : index
      %swap3A_449 = arith.constant 0 : index
      %swap3A_450 = vector.load %arg5[%swap3A_448, %swap3A_449] : memref<8x512xf32, #tpu.memory_space<vmem>>, vector<8x512xf32>
      tpu.vector_store %arg5[%swap3A_448, %swap3A_449], %broadcast_in_dim3A_447 {strides = array<i32>} : memref<8x512xf32, #tpu.memory_space<vmem>>, vector<8x512xf32>,
    } else {
    }
    %get3A_9 = arith.constant 0 : index
    %get3A_10 = arith.constant 0 : index
    %get3A_11 = vector.load %arg3[%get3A_9, %get3A_10] : memref<1x4096xf32, #tpu.memory_space<vmem>>, vector<1x512xf32>
    %get3A_12 = arith.constant 0 : index
    %get3A_13 = arith.constant 0 : index
    %get3A_14 = vector.load %arg4[%get3A_12, %get3A_13] : memref<1x4096xf32, #tpu.memory_space<vmem>>, vector<1x512xf32>
    %iota3A_15 = tpu.iota {dimensions = array<i32: 1>} : vector<8x512xi32>
    %add3A_16 = arith.constant 0 : i32
    %add3A_17 = vector.broadcast %add3A_16 : i32 to vector<8x512xi32>
    %add3A_18 = arith.addi %add3A_17, %iota3A_15 : vector<8x512xi32>
    %gt3A = arith.cmpi sgt, %add3A_18, %add3A_6 : vector<8x512xi32>
    %sub3A = vector.broadcast %get3A_2 : vector<8x1xf32> to vector<8x512xf32>
    %sub3A_19 = vector.broadcast %get3A_11 : vector<1x512xf32> to vector<8x512xf32>
    %sub3A_20 = arith.subf %sub3A, %sub3A_19 : vector<8x512xf32>
    %sub3A_21 = vector.broadcast %get3A_5 : vector<8x1xf32> to vector<8x512xf32>
    %sub3A_22 = vector.broadcast %get3A_14 : vector<1x512xf32> to vector<8x512xf32>
    %sub3A_23 = arith.subf %sub3A_21, %sub3A_22 : vector<8x512xf32>
    %gt3A_24 = arith.constant 0.000000e+00 : f32
    %gt3A_25 = vector.broadcast %gt3A_24 : f32 to vector<8x512xf32>
    %gt3A_26 = arith.cmpf ogt, %sub3A_23, %gt3A_25 : vector<8x512xf32>
    %jit3A = arith.constant 0.000000e+00 : f32
    %broadcast_in_dim3A = vector.broadcast %jit3A : f32 to vector<8x512xf32>
    %select_n3A = arith.select %gt3A_26, %sub3A_20, %broadcast_in_dim3A : vector<8x512xi1>, vector<8x512xf32>
    %abs3A = math.absf %sub3A_20 : vector<8x512xf32>
    %neg3A = arith.constant 0.000000e+00 : f32
    %neg3A_27 = vector.broadcast %neg3A : f32 to vector<8x512xf32>
    %neg3A_28 = arith.subf %neg3A_27, %abs3A : vector<8x512xf32>
    %exp3A = math.exp %neg3A_28 : vector<8x512xf32>
    %mul3A_29 = arith.constant 5.000000e-01 : f32
    %mul3A_30 = vector.broadcast %mul3A_29 : f32 to vector<8x512xf32>
    %mul3A_31 = arith.mulf %mul3A_30, %abs3A : vector<8x512xf32>
    %mul3A_32 = arith.constant -0.0548622571 : f32
    %mul3A_33 = vector.broadcast %mul3A_32 : f32 to vector<8x512xf32>
    %mul3A_34 = arith.mulf %mul3A_33, %exp3A : vector<8x512xf32>
    %add3A_35 = arith.constant 0.216408402 : f32
    %add3A_36 = vector.broadcast %add3A_35 : f32 to vector<8x512xf32>
    %add3A_37 = arith.addf %mul3A_34, %add3A_36 : vector<8x512xf32>
    %mul3A_38 = arith.mulf %add3A_37, %exp3A : vector<8x512xf32>
    %add3A_39 = arith.constant -0.464070499 : f32
    %add3A_40 = vector.broadcast %add3A_39 : f32 to vector<8x512xf32>
    %add3A_41 = arith.addf %mul3A_38, %add3A_40 : vector<8x512xf32>
    %mul3A_42 = arith.mulf %add3A_41, %exp3A : vector<8x512xf32>
    %add3A_43 = arith.constant 0.995426595 : f32
    %add3A_44 = vector.broadcast %add3A_43 : f32 to vector<8x512xf32>
    %add3A_45 = arith.addf %mul3A_42, %add3A_44 : vector<8x512xf32>
    %mul3A_46 = arith.mulf %add3A_45, %exp3A : vector<8x512xf32>
    %add3A_47 = arith.constant 1.41586977E-4 : f32
    %add3A_48 = vector.broadcast %add3A_47 : f32 to vector<8x512xf32>
    %add3A_49 = arith.addf %mul3A_46, %add3A_48 : vector<8x512xf32>
    %add3A_50 = arith.addf %mul3A_31, %add3A_49 : vector<8x512xf32>
    %sub3A_51 = arith.subf %add3A_50, %select_n3A : vector<8x512xf32>
    %jit3A_52 = arith.constant 0.000000e+00 : f32
    %broadcast_in_dim3A_53 = vector.broadcast %jit3A_52 : f32 to vector<8x512xf32>
    %select_n3A_54 = arith.select %gt3A, %sub3A_51, %broadcast_in_dim3A_53 : vector<8x512xi1>, vector<8x512xf32>
    %get3A_55 = arith.constant 0 : index
    %get3A_56 = arith.constant 512 : index
    %get3A_57 = vector.load %arg3[%get3A_55, %get3A_56] : memref<1x4096xf32, #tpu.memory_space<vmem>>, vector<1x512xf32>
    %get3A_58 = arith.constant 0 : index
    %get3A_59 = arith.constant 512 : index
    %get3A_60 = vector.load %arg4[%get3A_58, %get3A_59] : memref<1x4096xf32, #tpu.memory_space<vmem>>, vector<1x512xf32>
    %iota3A_61 = tpu.iota {dimensions = array<i32: 1>} : vector<8x512xi32>
    %add3A_62 = arith.constant 512 : i32
    %add3A_63 = vector.broadcast %add3A_62 : i32 to vector<8x512xi32>
    %add3A_64 = arith.addi %add3A_63, %iota3A_61 : vector<8x512xi32>
    %gt3A_65 = arith.cmpi sgt, %add3A_64, %add3A_6 : vector<8x512xi32>
    %sub3A_66 = vector.broadcast %get3A_2 : vector<8x1xf32> to vector<8x512xf32>
    %sub3A_67 = vector.broadcast %get3A_57 : vector<1x512xf32> to vector<8x512xf32>
    %sub3A_68 = arith.subf %sub3A_66, %sub3A_67 : vector<8x512xf32>
    %sub3A_69 = vector.broadcast %get3A_5 : vector<8x1xf32> to vector<8x512xf32>
    %sub3A_70 = vector.broadcast %get3A_60 : vector<1x512xf32> to vector<8x512xf32>
    %sub3A_71 = arith.subf %sub3A_69, %sub3A_70 : vector<8x512xf32>
    %gt3A_72 = arith.constant 0.000000e+00 : f32
    %gt3A_73 = vector.broadcast %gt3A_72 : f32 to vector<8x512xf32>
    %gt3A_74 = arith.cmpf ogt, %sub3A_71, %gt3A_73 : vector<8x512xf32>
    %jit3A_75 = arith.constant 0.000000e+00 : f32
    %broadcast_in_dim3A_76 = vector.broadcast %jit3A_75 : f32 to vector<8x512xf32>
    %select_n3A_77 = arith.select %gt3A_74, %sub3A_68, %broadcast_in_dim3A_76 : vector<8x512xi1>, vector<8x512xf32>
    %abs3A_78 = math.absf %sub3A_68 : vector<8x512xf32>
    %neg3A_79 = arith.constant 0.000000e+00 : f32
    %neg3A_80 = vector.broadcast %neg3A_79 : f32 to vector<8x512xf32>
    %neg3A_81 = arith.subf %neg3A_80, %abs3A_78 : vector<8x512xf32>
    %exp3A_82 = math.exp %neg3A_81 : vector<8x512xf32>
    %mul3A_83 = arith.constant 5.000000e-01 : f32
    %mul3A_84 = vector.broadcast %mul3A_83 : f32 to vector<8x512xf32>
    %mul3A_85 = arith.mulf %mul3A_84, %abs3A_78 : vector<8x512xf32>
    %mul3A_86 = arith.constant -0.0548622571 : f32
    %mul3A_87 = vector.broadcast %mul3A_86 : f32 to vector<8x512xf32>
    %mul3A_88 = arith.mulf %mul3A_87, %exp3A_82 : vector<8x512xf32>
    %add3A_89 = arith.constant 0.216408402 : f32
    %add3A_90 = vector.broadcast %add3A_89 : f32 to vector<8x512xf32>
    %add3A_91 = arith.addf %mul3A_88, %add3A_90 : vector<8x512xf32>
    %mul3A_92 = arith.mulf %add3A_91, %exp3A_82 : vector<8x512xf32>
    %add3A_93 = arith.constant -0.464070499 : f32
    %add3A_94 = vector.broadcast %add3A_93 : f32 to vector<8x512xf32>
    %add3A_95 = arith.addf %mul3A_92, %add3A_94 : vector<8x512xf32>
    %mul3A_96 = arith.mulf %add3A_95, %exp3A_82 : vector<8x512xf32>
    %add3A_97 = arith.constant 0.995426595 : f32
    %add3A_98 = vector.broadcast %add3A_97 : f32 to vector<8x512xf32>
    %add3A_99 = arith.addf %mul3A_96, %add3A_98 : vector<8x512xf32>
    %mul3A_100 = arith.mulf %add3A_99, %exp3A_82 : vector<8x512xf32>
    %add3A_101 = arith.constant 1.41586977E-4 : f32
    %add3A_102 = vector.broadcast %add3A_101 : f32 to vector<8x512xf32>
    %add3A_103 = arith.addf %mul3A_100, %add3A_102 : vector<8x512xf32>
    %add3A_104 = arith.addf %mul3A_85, %add3A_103 : vector<8x512xf32>
    %sub3A_105 = arith.subf %add3A_104, %select_n3A_77 : vector<8x512xf32>
    %jit3A_106 = arith.constant 0.000000e+00 : f32
    %broadcast_in_dim3A_107 = vector.broadcast %jit3A_106 : f32 to vector<8x512xf32>
    %select_n3A_108 = arith.select %gt3A_65, %sub3A_105, %broadcast_in_dim3A_107 : vector<8x512xi1>, vector<8x512xf32>
    %get3A_109 = arith.constant 0 : index
    %get3A_110 = arith.constant 1024 : index
    %get3A_111 = vector.load %arg3[%get3A_109, %get3A_110] : memref<1x4096xf32, #tpu.memory_space<vmem>>, vector<1x512xf32>
    %get3A_112 = arith.constant 0 : index
    %get3A_113 = arith.constant 1024 : index
    %get3A_114 = vector.load %arg4[%get3A_112, %get3A_113] : memref<1x4096xf32, #tpu.memory_space<vmem>>, vector<1x512xf32>
    %iota3A_115 = tpu.iota {dimensions = array<i32: 1>} : vector<8x512xi32>
    %add3A_116 = arith.constant 1024 : i32
    %add3A_117 = vector.broadcast %add3A_116 : i32 to vector<8x512xi32>
    %add3A_118 = arith.addi %add3A_117, %iota3A_115 : vector<8x512xi32>
    %gt3A_119 = arith.cmpi sgt, %add3A_118, %add3A_6 : vector<8x512xi32>
    %sub3A_120 = vector.broadcast %get3A_2 : vector<8x1xf32> to vector<8x512xf32>
    %sub3A_121 = vector.broadcast %get3A_111 : vector<1x512xf32> to vector<8x512xf32>
    %sub3A_122 = arith.subf %sub3A_120, %sub3A_121 : vector<8x512xf32>
    %sub3A_123 = vector.broadcast %get3A_5 : vector<8x1xf32> to vector<8x512xf32>
    %sub3A_124 = vector.broadcast %get3A_114 : vector<1x512xf32> to vector<8x512xf32>
    %sub3A_125 = arith.subf %sub3A_123, %sub3A_124 : vector<8x512xf32>
    %gt3A_126 = arith.constant 0.000000e+00 : f32
    %gt3A_127 = vector.broadcast %gt3A_126 : f32 to vector<8x512xf32>
    %gt3A_128 = arith.cmpf ogt, %sub3A_125, %gt3A_127 : vector<8x512xf32>
    %jit3A_129 = arith.constant 0.000000e+00 : f32
    %broadcast_in_dim3A_130 = vector.broadcast %jit3A_129 : f32 to vector<8x512xf32>
    %select_n3A_131 = arith.select %gt3A_128, %sub3A_122, %broadcast_in_dim3A_130 : vector<8x512xi1>, vector<8x512xf32>
    %abs3A_132 = math.absf %sub3A_122 : vector<8x512xf32>
    %neg3A_133 = arith.constant 0.000000e+00 : f32
    %neg3A_134 = vector.broadcast %neg3A_133 : f32 to vector<8x512xf32>
    %neg3A_135 = arith.subf %neg3A_134, %abs3A_132 : vector<8x512xf32>
    %exp3A_136 = math.exp %neg3A_135 : vector<8x512xf32>
    %mul3A_137 = arith.constant 5.000000e-01 : f32
    %mul3A_138 = vector.broadcast %mul3A_137 : f32 to vector<8x512xf32>
    %mul3A_139 = arith.mulf %mul3A_138, %abs3A_132 : vector<8x512xf32>
    %mul3A_140 = arith.constant -0.0548622571 : f32
    %mul3A_141 = vector.broadcast %mul3A_140 : f32 to vector<8x512xf32>
    %mul3A_142 = arith.mulf %mul3A_141, %exp3A_136 : vector<8x512xf32>
    %add3A_143 = arith.constant 0.216408402 : f32
    %add3A_144 = vector.broadcast %add3A_143 : f32 to vector<8x512xf32>
    %add3A_145 = arith.addf %mul3A_142, %add3A_144 : vector<8x512xf32>
    %mul3A_146 = arith.mulf %add3A_145, %exp3A_136 : vector<8x512xf32>
    %add3A_147 = arith.constant -0.464070499 : f32
    %add3A_148 = vector.broadcast %add3A_147 : f32 to vector<8x512xf32>
    %add3A_149 = arith.addf %mul3A_146, %add3A_148 : vector<8x512xf32>
    %mul3A_150 = arith.mulf %add3A_149, %exp3A_136 : vector<8x512xf32>
    %add3A_151 = arith.constant 0.995426595 : f32
    %add3A_152 = vector.broadcast %add3A_151 : f32 to vector<8x512xf32>
    %add3A_153 = arith.addf %mul3A_150, %add3A_152 : vector<8x512xf32>
    %mul3A_154 = arith.mulf %add3A_153, %exp3A_136 : vector<8x512xf32>
    %add3A_155 = arith.constant 1.41586977E-4 : f32
    %add3A_156 = vector.broadcast %add3A_155 : f32 to vector<8x512xf32>
    %add3A_157 = arith.addf %mul3A_154, %add3A_156 : vector<8x512xf32>
    %add3A_158 = arith.addf %mul3A_139, %add3A_157 : vector<8x512xf32>
    %sub3A_159 = arith.subf %add3A_158, %select_n3A_131 : vector<8x512xf32>
    %jit3A_160 = arith.constant 0.000000e+00 : f32
    %broadcast_in_dim3A_161 = vector.broadcast %jit3A_160 : f32 to vector<8x512xf32>
    %select_n3A_162 = arith.select %gt3A_119, %sub3A_159, %broadcast_in_dim3A_161 : vector<8x512xi1>, vector<8x512xf32>
    %get3A_163 = arith.constant 0 : index
    %get3A_164 = arith.constant 1536 : index
    %get3A_165 = vector.load %arg3[%get3A_163, %get3A_164] : memref<1x4096xf32, #tpu.memory_space<vmem>>, vector<1x512xf32>
    %get3A_166 = arith.constant 0 : index
    %get3A_167 = arith.constant 1536 : index
    %get3A_168 = vector.load %arg4[%get3A_166, %get3A_167] : memref<1x4096xf32, #tpu.memory_space<vmem>>, vector<1x512xf32>
    %iota3A_169 = tpu.iota {dimensions = array<i32: 1>} : vector<8x512xi32>
    %add3A_170 = arith.constant 1536 : i32
    %add3A_171 = vector.broadcast %add3A_170 : i32 to vector<8x512xi32>
    %add3A_172 = arith.addi %add3A_171, %iota3A_169 : vector<8x512xi32>
    %gt3A_173 = arith.cmpi sgt, %add3A_172, %add3A_6 : vector<8x512xi32>
    %sub3A_174 = vector.broadcast %get3A_2 : vector<8x1xf32> to vector<8x512xf32>
    %sub3A_175 = vector.broadcast %get3A_165 : vector<1x512xf32> to vector<8x512xf32>
    %sub3A_176 = arith.subf %sub3A_174, %sub3A_175 : vector<8x512xf32>
    %sub3A_177 = vector.broadcast %get3A_5 : vector<8x1xf32> to vector<8x512xf32>
    %sub3A_178 = vector.broadcast %get3A_168 : vector<1x512xf32> to vector<8x512xf32>
    %sub3A_179 = arith.subf %sub3A_177, %sub3A_178 : vector<8x512xf32>
    %gt3A_180 = arith.constant 0.000000e+00 : f32
    %gt3A_181 = vector.broadcast %gt3A_180 : f32 to vector<8x512xf32>
    %gt3A_182 = arith.cmpf ogt, %sub3A_179, %gt3A_181 : vector<8x512xf32>
    %jit3A_183 = arith.constant 0.000000e+00 : f32
    %broadcast_in_dim3A_184 = vector.broadcast %jit3A_183 : f32 to vector<8x512xf32>
    %select_n3A_185 = arith.select %gt3A_182, %sub3A_176, %broadcast_in_dim3A_184 : vector<8x512xi1>, vector<8x512xf32>
    %abs3A_186 = math.absf %sub3A_176 : vector<8x512xf32>
    %neg3A_187 = arith.constant 0.000000e+00 : f32
    %neg3A_188 = vector.broadcast %neg3A_187 : f32 to vector<8x512xf32>
    %neg3A_189 = arith.subf %neg3A_188, %abs3A_186 : vector<8x512xf32>
    %exp3A_190 = math.exp %neg3A_189 : vector<8x512xf32>
    %mul3A_191 = arith.constant 5.000000e-01 : f32
    %mul3A_192 = vector.broadcast %mul3A_191 : f32 to vector<8x512xf32>
    %mul3A_193 = arith.mulf %mul3A_192, %abs3A_186 : vector<8x512xf32>
    %mul3A_194 = arith.constant -0.0548622571 : f32
    %mul3A_195 = vector.broadcast %mul3A_194 : f32 to vector<8x512xf32>
    %mul3A_196 = arith.mulf %mul3A_195, %exp3A_190 : vector<8x512xf32>
    %add3A_197 = arith.constant 0.216408402 : f32
    %add3A_198 = vector.broadcast %add3A_197 : f32 to vector<8x512xf32>
    %add3A_199 = arith.addf %mul3A_196, %add3A_198 : vector<8x512xf32>
    %mul3A_200 = arith.mulf %add3A_199, %exp3A_190 : vector<8x512xf32>
    %add3A_201 = arith.constant -0.464070499 : f32
    %add3A_202 = vector.broadcast %add3A_201 : f32 to vector<8x512xf32>
    %add3A_203 = arith.addf %mul3A_200, %add3A_202 : vector<8x512xf32>
    %mul3A_204 = arith.mulf %add3A_203, %exp3A_190 : vector<8x512xf32>
    %add3A_205 = arith.constant 0.995426595 : f32
    %add3A_206 = vector.broadcast %add3A_205 : f32 to vector<8x512xf32>
    %add3A_207 = arith.addf %mul3A_204, %add3A_206 : vector<8x512xf32>
    %mul3A_208 = arith.mulf %add3A_207, %exp3A_190 : vector<8x512xf32>
    %add3A_209 = arith.constant 1.41586977E-4 : f32
    %add3A_210 = vector.broadcast %add3A_209 : f32 to vector<8x512xf32>
    %add3A_211 = arith.addf %mul3A_208, %add3A_210 : vector<8x512xf32>
    %add3A_212 = arith.addf %mul3A_193, %add3A_211 : vector<8x512xf32>
    %sub3A_213 = arith.subf %add3A_212, %select_n3A_185 : vector<8x512xf32>
    %jit3A_214 = arith.constant 0.000000e+00 : f32
    %broadcast_in_dim3A_215 = vector.broadcast %jit3A_214 : f32 to vector<8x512xf32>
    %select_n3A_216 = arith.select %gt3A_173, %sub3A_213, %broadcast_in_dim3A_215 : vector<8x512xi1>, vector<8x512xf32>
    %get3A_217 = arith.constant 0 : index
    %get3A_218 = arith.constant 2048 : index
    %get3A_219 = vector.load %arg3[%get3A_217, %get3A_218] : memref<1x4096xf32, #tpu.memory_space<vmem>>, vector<1x512xf32>
    %get3A_220 = arith.constant 0 : index
    %get3A_221 = arith.constant 2048 : index
    %get3A_222 = vector.load %arg4[%get3A_220, %get3A_221] : memref<1x4096xf32, #tpu.memory_space<vmem>>, vector<1x512xf32>
    %iota3A_223 = tpu.iota {dimensions = array<i32: 1>} : vector<8x512xi32>
    %add3A_224 = arith.constant 2048 : i32
    %add3A_225 = vector.broadcast %add3A_224 : i32 to vector<8x512xi32>
    %add3A_226 = arith.addi %add3A_225, %iota3A_223 : vector<8x512xi32>
    %gt3A_227 = arith.cmpi sgt, %add3A_226, %add3A_6 : vector<8x512xi32>
    %sub3A_228 = vector.broadcast %get3A_2 : vector<8x1xf32> to vector<8x512xf32>
    %sub3A_229 = vector.broadcast %get3A_219 : vector<1x512xf32> to vector<8x512xf32>
    %sub3A_230 = arith.subf %sub3A_228, %sub3A_229 : vector<8x512xf32>
    %sub3A_231 = vector.broadcast %get3A_5 : vector<8x1xf32> to vector<8x512xf32>
    %sub3A_232 = vector.broadcast %get3A_222 : vector<1x512xf32> to vector<8x512xf32>
    %sub3A_233 = arith.subf %sub3A_231, %sub3A_232 : vector<8x512xf32>
    %gt3A_234 = arith.constant 0.000000e+00 : f32
    %gt3A_235 = vector.broadcast %gt3A_234 : f32 to vector<8x512xf32>
    %gt3A_236 = arith.cmpf ogt, %sub3A_233, %gt3A_235 : vector<8x512xf32>
    %jit3A_237 = arith.constant 0.000000e+00 : f32
    %broadcast_in_dim3A_238 = vector.broadcast %jit3A_237 : f32 to vector<8x512xf32>
    %select_n3A_239 = arith.select %gt3A_236, %sub3A_230, %broadcast_in_dim3A_238 : vector<8x512xi1>, vector<8x512xf32>
    %abs3A_240 = math.absf %sub3A_230 : vector<8x512xf32>
    %neg3A_241 = arith.constant 0.000000e+00 : f32
    %neg3A_242 = vector.broadcast %neg3A_241 : f32 to vector<8x512xf32>
    %neg3A_243 = arith.subf %neg3A_242, %abs3A_240 : vector<8x512xf32>
    %exp3A_244 = math.exp %neg3A_243 : vector<8x512xf32>
    %mul3A_245 = arith.constant 5.000000e-01 : f32
    %mul3A_246 = vector.broadcast %mul3A_245 : f32 to vector<8x512xf32>
    %mul3A_247 = arith.mulf %mul3A_246, %abs3A_240 : vector<8x512xf32>
    %mul3A_248 = arith.constant -0.0548622571 : f32
    %mul3A_249 = vector.broadcast %mul3A_248 : f32 to vector<8x512xf32>
    %mul3A_250 = arith.mulf %mul3A_249, %exp3A_244 : vector<8x512xf32>
    %add3A_251 = arith.constant 0.216408402 : f32
    %add3A_252 = vector.broadcast %add3A_251 : f32 to vector<8x512xf32>
    %add3A_253 = arith.addf %mul3A_250, %add3A_252 : vector<8x512xf32>
    %mul3A_254 = arith.mulf %add3A_253, %exp3A_244 : vector<8x512xf32>
    %add3A_255 = arith.constant -0.464070499 : f32
    %add3A_256 = vector.broadcast %add3A_255 : f32 to vector<8x512xf32>
    %add3A_257 = arith.addf %mul3A_254, %add3A_256 : vector<8x512xf32>
    %mul3A_258 = arith.mulf %add3A_257, %exp3A_244 : vector<8x512xf32>
    %add3A_259 = arith.constant 0.995426595 : f32
    %add3A_260 = vector.broadcast %add3A_259 : f32 to vector<8x512xf32>
    %add3A_261 = arith.addf %mul3A_258, %add3A_260 : vector<8x512xf32>
    %mul3A_262 = arith.mulf %add3A_261, %exp3A_244 : vector<8x512xf32>
    %add3A_263 = arith.constant 1.41586977E-4 : f32
    %add3A_264 = vector.broadcast %add3A_263 : f32 to vector<8x512xf32>
    %add3A_265 = arith.addf %mul3A_262, %add3A_264 : vector<8x512xf32>
    %add3A_266 = arith.addf %mul3A_247, %add3A_265 : vector<8x512xf32>
    %sub3A_267 = arith.subf %add3A_266, %select_n3A_239 : vector<8x512xf32>
    %jit3A_268 = arith.constant 0.000000e+00 : f32
    %broadcast_in_dim3A_269 = vector.broadcast %jit3A_268 : f32 to vector<8x512xf32>
    %select_n3A_270 = arith.select %gt3A_227, %sub3A_267, %broadcast_in_dim3A_269 : vector<8x512xi1>, vector<8x512xf32>
    %add3A_271 = arith.addf %select_n3A_54, %select_n3A_270 : vector<8x512xf32>
    %get3A_272 = arith.constant 0 : index
    %get3A_273 = arith.constant 2560 : index
    %get3A_274 = vector.load %arg3[%get3A_272, %get3A_273] : memref<1x4096xf32, #tpu.memory_space<vmem>>, vector<1x512xf32>
    %get3A_275 = arith.constant 0 : index
    %get3A_276 = arith.constant 2560 : index
    %get3A_277 = vector.load %arg4[%get3A_275, %get3A_276] : memref<1x4096xf32, #tpu.memory_space<vmem>>, vector<1x512xf32>
    %iota3A_278 = tpu.iota {dimensions = array<i32: 1>} : vector<8x512xi32>
    %add3A_279 = arith.constant 2560 : i32
    %add3A_280 = vector.broadcast %add3A_279 : i32 to vector<8x512xi32>
    %add3A_281 = arith.addi %add3A_280, %iota3A_278 : vector<8x512xi32>
    %gt3A_282 = arith.cmpi sgt, %add3A_281, %add3A_6 : vector<8x512xi32>
    %sub3A_283 = vector.broadcast %get3A_2 : vector<8x1xf32> to vector<8x512xf32>
    %sub3A_284 = vector.broadcast %get3A_274 : vector<1x512xf32> to vector<8x512xf32>
    %sub3A_285 = arith.subf %sub3A_283, %sub3A_284 : vector<8x512xf32>
    %sub3A_286 = vector.broadcast %get3A_5 : vector<8x1xf32> to vector<8x512xf32>
    %sub3A_287 = vector.broadcast %get3A_277 : vector<1x512xf32> to vector<8x512xf32>
    %sub3A_288 = arith.subf %sub3A_286, %sub3A_287 : vector<8x512xf32>
    %gt3A_289 = arith.constant 0.000000e+00 : f32
    %gt3A_290 = vector.broadcast %gt3A_289 : f32 to vector<8x512xf32>
    %gt3A_291 = arith.cmpf ogt, %sub3A_288, %gt3A_290 : vector<8x512xf32>
    %jit3A_292 = arith.constant 0.000000e+00 : f32
    %broadcast_in_dim3A_293 = vector.broadcast %jit3A_292 : f32 to vector<8x512xf32>
    %select_n3A_294 = arith.select %gt3A_291, %sub3A_285, %broadcast_in_dim3A_293 : vector<8x512xi1>, vector<8x512xf32>
    %abs3A_295 = math.absf %sub3A_285 : vector<8x512xf32>
    %neg3A_296 = arith.constant 0.000000e+00 : f32
    %neg3A_297 = vector.broadcast %neg3A_296 : f32 to vector<8x512xf32>
    %neg3A_298 = arith.subf %neg3A_297, %abs3A_295 : vector<8x512xf32>
    %exp3A_299 = math.exp %neg3A_298 : vector<8x512xf32>
    %mul3A_300 = arith.constant 5.000000e-01 : f32
    %mul3A_301 = vector.broadcast %mul3A_300 : f32 to vector<8x512xf32>
    %mul3A_302 = arith.mulf %mul3A_301, %abs3A_295 : vector<8x512xf32>
    %mul3A_303 = arith.constant -0.0548622571 : f32
    %mul3A_304 = vector.broadcast %mul3A_303 : f32 to vector<8x512xf32>
    %mul3A_305 = arith.mulf %mul3A_304, %exp3A_299 : vector<8x512xf32>
    %add3A_306 = arith.constant 0.216408402 : f32
    %add3A_307 = vector.broadcast %add3A_306 : f32 to vector<8x512xf32>
    %add3A_308 = arith.addf %mul3A_305, %add3A_307 : vector<8x512xf32>
    %mul3A_309 = arith.mulf %add3A_308, %exp3A_299 : vector<8x512xf32>
    %add3A_310 = arith.constant -0.464070499 : f32
    %add3A_311 = vector.broadcast %add3A_310 : f32 to vector<8x512xf32>
    %add3A_312 = arith.addf %mul3A_309, %add3A_311 : vector<8x512xf32>
    %mul3A_313 = arith.mulf %add3A_312, %exp3A_299 : vector<8x512xf32>
    %add3A_314 = arith.constant 0.995426595 : f32
    %add3A_315 = vector.broadcast %add3A_314 : f32 to vector<8x512xf32>
    %add3A_316 = arith.addf %mul3A_313, %add3A_315 : vector<8x512xf32>
    %mul3A_317 = arith.mulf %add3A_316, %exp3A_299 : vector<8x512xf32>
    %add3A_318 = arith.constant 1.41586977E-4 : f32
    %add3A_319 = vector.broadcast %add3A_318 : f32 to vector<8x512xf32>
    %add3A_320 = arith.addf %mul3A_317, %add3A_319 : vector<8x512xf32>
    %add3A_321 = arith.addf %mul3A_302, %add3A_320 : vector<8x512xf32>
    %sub3A_322 = arith.subf %add3A_321, %select_n3A_294 : vector<8x512xf32>
    %jit3A_323 = arith.constant 0.000000e+00 : f32
    %broadcast_in_dim3A_324 = vector.broadcast %jit3A_323 : f32 to vector<8x512xf32>
    %select_n3A_325 = arith.select %gt3A_282, %sub3A_322, %broadcast_in_dim3A_324 : vector<8x512xi1>, vector<8x512xf32>
    %add3A_326 = arith.addf %select_n3A_108, %select_n3A_325 : vector<8x512xf32>
    %get3A_327 = arith.constant 0 : index
    %get3A_328 = arith.constant 3072 : index
    %get3A_329 = vector.load %arg3[%get3A_327, %get3A_328] : memref<1x4096xf32, #tpu.memory_space<vmem>>, vector<1x512xf32>
    %get3A_330 = arith.constant 0 : index
    %get3A_331 = arith.constant 3072 : index
    %get3A_332 = vector.load %arg4[%get3A_330, %get3A_331] : memref<1x4096xf32, #tpu.memory_space<vmem>>, vector<1x512xf32>
    %iota3A_333 = tpu.iota {dimensions = array<i32: 1>} : vector<8x512xi32>
    %add3A_334 = arith.constant 3072 : i32
    %add3A_335 = vector.broadcast %add3A_334 : i32 to vector<8x512xi32>
    %add3A_336 = arith.addi %add3A_335, %iota3A_333 : vector<8x512xi32>
    %gt3A_337 = arith.cmpi sgt, %add3A_336, %add3A_6 : vector<8x512xi32>
    %sub3A_338 = vector.broadcast %get3A_2 : vector<8x1xf32> to vector<8x512xf32>
    %sub3A_339 = vector.broadcast %get3A_329 : vector<1x512xf32> to vector<8x512xf32>
    %sub3A_340 = arith.subf %sub3A_338, %sub3A_339 : vector<8x512xf32>
    %sub3A_341 = vector.broadcast %get3A_5 : vector<8x1xf32> to vector<8x512xf32>
    %sub3A_342 = vector.broadcast %get3A_332 : vector<1x512xf32> to vector<8x512xf32>
    %sub3A_343 = arith.subf %sub3A_341, %sub3A_342 : vector<8x512xf32>
    %gt3A_344 = arith.constant 0.000000e+00 : f32
    %gt3A_345 = vector.broadcast %gt3A_344 : f32 to vector<8x512xf32>
    %gt3A_346 = arith.cmpf ogt, %sub3A_343, %gt3A_345 : vector<8x512xf32>
    %jit3A_347 = arith.constant 0.000000e+00 : f32
    %broadcast_in_dim3A_348 = vector.broadcast %jit3A_347 : f32 to vector<8x512xf32>
    %select_n3A_349 = arith.select %gt3A_346, %sub3A_340, %broadcast_in_dim3A_348 : vector<8x512xi1>, vector<8x512xf32>
    %abs3A_350 = math.absf %sub3A_340 : vector<8x512xf32>
    %neg3A_351 = arith.constant 0.000000e+00 : f32
    %neg3A_352 = vector.broadcast %neg3A_351 : f32 to vector<8x512xf32>
    %neg3A_353 = arith.subf %neg3A_352, %abs3A_350 : vector<8x512xf32>
    %exp3A_354 = math.exp %neg3A_353 : vector<8x512xf32>
    %mul3A_355 = arith.constant 5.000000e-01 : f32
    %mul3A_356 = vector.broadcast %mul3A_355 : f32 to vector<8x512xf32>
    %mul3A_357 = arith.mulf %mul3A_356, %abs3A_350 : vector<8x512xf32>
    %mul3A_358 = arith.constant -0.0548622571 : f32
    %mul3A_359 = vector.broadcast %mul3A_358 : f32 to vector<8x512xf32>
    %mul3A_360 = arith.mulf %mul3A_359, %exp3A_354 : vector<8x512xf32>
    %add3A_361 = arith.constant 0.216408402 : f32
    %add3A_362 = vector.broadcast %add3A_361 : f32 to vector<8x512xf32>
    %add3A_363 = arith.addf %mul3A_360, %add3A_362 : vector<8x512xf32>
    %mul3A_364 = arith.mulf %add3A_363, %exp3A_354 : vector<8x512xf32>
    %add3A_365 = arith.constant -0.464070499 : f32
    %add3A_366 = vector.broadcast %add3A_365 : f32 to vector<8x512xf32>
    %add3A_367 = arith.addf %mul3A_364, %add3A_366 : vector<8x512xf32>
    %mul3A_368 = arith.mulf %add3A_367, %exp3A_354 : vector<8x512xf32>
    %add3A_369 = arith.constant 0.995426595 : f32
    %add3A_370 = vector.broadcast %add3A_369 : f32 to vector<8x512xf32>
    %add3A_371 = arith.addf %mul3A_368, %add3A_370 : vector<8x512xf32>
    %mul3A_372 = arith.mulf %add3A_371, %exp3A_354 : vector<8x512xf32>
    %add3A_373 = arith.constant 1.41586977E-4 : f32
    %add3A_374 = vector.broadcast %add3A_373 : f32 to vector<8x512xf32>
    %add3A_375 = arith.addf %mul3A_372, %add3A_374 : vector<8x512xf32>
    %add3A_376 = arith.addf %mul3A_357, %add3A_375 : vector<8x512xf32>
    %sub3A_377 = arith.subf %add3A_376, %select_n3A_349 : vector<8x512xf32>
    %jit3A_378 = arith.constant 0.000000e+00 : f32
    %broadcast_in_dim3A_379 = vector.broadcast %jit3A_378 : f32 to vector<8x512xf32>
    %select_n3A_380 = arith.select %gt3A_337, %sub3A_377, %broadcast_in_dim3A_379 : vector<8x512xi1>, vector<8x512xf32>
    %add3A_381 = arith.addf %select_n3A_162, %select_n3A_380 : vector<8x512xf32>
    %get3A_382 = arith.constant 0 : index
    %get3A_383 = arith.constant 3584 : index
    %get3A_384 = vector.load %arg3[%get3A_382, %get3A_383] : memref<1x4096xf32, #tpu.memory_space<vmem>>, vector<1x512xf32>
    %get3A_385 = arith.constant 0 : index
    %get3A_386 = arith.constant 3584 : index
    %get3A_387 = vector.load %arg4[%get3A_385, %get3A_386] : memref<1x4096xf32, #tpu.memory_space<vmem>>, vector<1x512xf32>
    %iota3A_388 = tpu.iota {dimensions = array<i32: 1>} : vector<8x512xi32>
    %add3A_389 = arith.constant 3584 : i32
    %add3A_390 = vector.broadcast %add3A_389 : i32 to vector<8x512xi32>
    %add3A_391 = arith.addi %add3A_390, %iota3A_388 : vector<8x512xi32>
    %gt3A_392 = arith.cmpi sgt, %add3A_391, %add3A_6 : vector<8x512xi32>
    %sub3A_393 = vector.broadcast %get3A_2 : vector<8x1xf32> to vector<8x512xf32>
    %sub3A_394 = vector.broadcast %get3A_384 : vector<1x512xf32> to vector<8x512xf32>
    %sub3A_395 = arith.subf %sub3A_393, %sub3A_394 : vector<8x512xf32>
    %sub3A_396 = vector.broadcast %get3A_5 : vector<8x1xf32> to vector<8x512xf32>
    %sub3A_397 = vector.broadcast %get3A_387 : vector<1x512xf32> to vector<8x512xf32>
    %sub3A_398 = arith.subf %sub3A_396, %sub3A_397 : vector<8x512xf32>
    %gt3A_399 = arith.constant 0.000000e+00 : f32
    %gt3A_400 = vector.broadcast %gt3A_399 : f32 to vector<8x512xf32>
    %gt3A_401 = arith.cmpf ogt, %sub3A_398, %gt3A_400 : vector<8x512xf32>
    %jit3A_402 = arith.constant 0.000000e+00 : f32
    %broadcast_in_dim3A_403 = vector.broadcast %jit3A_402 : f32 to vector<8x512xf32>
    %select_n3A_404 = arith.select %gt3A_401, %sub3A_395, %broadcast_in_dim3A_403 : vector<8x512xi1>, vector<8x512xf32>
    %abs3A_405 = math.absf %sub3A_395 : vector<8x512xf32>
    %neg3A_406 = arith.constant 0.000000e+00 : f32
    %neg3A_407 = vector.broadcast %neg3A_406 : f32 to vector<8x512xf32>
    %neg3A_408 = arith.subf %neg3A_407, %abs3A_405 : vector<8x512xf32>
    %exp3A_409 = math.exp %neg3A_408 : vector<8x512xf32>
    %mul3A_410 = arith.constant 5.000000e-01 : f32
    %mul3A_411 = vector.broadcast %mul3A_410 : f32 to vector<8x512xf32>
    %mul3A_412 = arith.mulf %mul3A_411, %abs3A_405 : vector<8x512xf32>
    %mul3A_413 = arith.constant -0.0548622571 : f32
    %mul3A_414 = vector.broadcast %mul3A_413 : f32 to vector<8x512xf32>
    %mul3A_415 = arith.mulf %mul3A_414, %exp3A_409 : vector<8x512xf32>
    %add3A_416 = arith.constant 0.216408402 : f32
    %add3A_417 = vector.broadcast %add3A_416 : f32 to vector<8x512xf32>
    %add3A_418 = arith.addf %mul3A_415, %add3A_417 : vector<8x512xf32>
    %mul3A_419 = arith.mulf %add3A_418, %exp3A_409 : vector<8x512xf32>
    %add3A_420 = arith.constant -0.464070499 : f32
    %add3A_421 = vector.broadcast %add3A_420 : f32 to vector<8x512xf32>
    %add3A_422 = arith.addf %mul3A_419, %add3A_421 : vector<8x512xf32>
    %mul3A_423 = arith.mulf %add3A_422, %exp3A_409 : vector<8x512xf32>
    %add3A_424 = arith.constant 0.995426595 : f32
    %add3A_425 = vector.broadcast %add3A_424 : f32 to vector<8x512xf32>
    %add3A_426 = arith.addf %mul3A_423, %add3A_425 : vector<8x512xf32>
    %mul3A_427 = arith.mulf %add3A_426, %exp3A_409 : vector<8x512xf32>
    %add3A_428 = arith.constant 1.41586977E-4 : f32
    %add3A_429 = vector.broadcast %add3A_428 : f32 to vector<8x512xf32>
    %add3A_430 = arith.addf %mul3A_427, %add3A_429 : vector<8x512xf32>
    %add3A_431 = arith.addf %mul3A_412, %add3A_430 : vector<8x512xf32>
    %sub3A_432 = arith.subf %add3A_431, %select_n3A_404 : vector<8x512xf32>
    %jit3A_433 = arith.constant 0.000000e+00 : f32
    %broadcast_in_dim3A_434 = vector.broadcast %jit3A_433 : f32 to vector<8x512xf32>
    %select_n3A_435 = arith.select %gt3A_392, %sub3A_432, %broadcast_in_dim3A_434 : vector<8x512xi1>, vector<8x512xf32>
    %add3A_436 = arith.addf %select_n3A_216, %select_n3A_435 : vector<8x512xf32>
    %get3A_437 = arith.constant 0 : index
    %get3A_438 = arith.constant 0 : index
    %get3A_439 = vector.load %arg5[%get3A_437, %get3A_438] : memref<8x512xf32, #tpu.memory_space<vmem>>, vector<8x512xf32>
    %add3A_440 = arith.addf %add3A_271, %add3A_326 : vector<8x512xf32>
    %add3A_441 = arith.addf %add3A_381, %add3A_436 : vector<8x512xf32>
    %add3A_442 = arith.addf %add3A_440, %add3A_441 : vector<8x512xf32>
    %add3A_443 = arith.addf %get3A_439, %add3A_442 : vector<8x512xf32>
    %swap3A = arith.constant 0 : index
    %swap3A_444 = arith.constant 0 : index
    %swap3A_445 = vector.load %arg5[%swap3A, %swap3A_444] : memref<8x512xf32, #tpu.memory_space<vmem>>, vector<8x512xf32>
    tpu.vector_store %arg5[%swap3A, %swap3A_444], %add3A_443 {strides = array<i32>} : memref<8x512xf32, #tpu.memory_space<vmem>>, vector<8x512xf32>,
    return
  }
  func.func @transform_0(%arg0: i32) -> (i32, i32) {
    %c0_i32 = arith.constant 0 : i32
    %c0_i32_0 = arith.constant 0 : i32
    %c0_i32_1 = arith.constant 0 : i32
    return %c0_i32, %c0_i32_0 : i32, i32
  }
  func.func @transform_1(%arg0: i32) -> (i32, i32) {
    %c0_i32 = arith.constant 0 : i32
    %c0_i32_0 = arith.constant 0 : i32
    %c0_i32_1 = arith.constant 0 : i32
    return %c0_i32, %c0_i32_0 : i32, i32
  }
  func.func @transform_2(%arg0: i32) -> (i32, i32) {
    %c0_i32 = arith.constant 0 : i32
    %c0_i32_0 = arith.constant 0 : i32
    %c0_i32_1 = arith.constant 0 : i32
    return %c0_i32, %c0_i32_0 : i32, i32
  }
  func.func @transform_3(%arg0: i32) -> (i32, i32) {
    %c0_i32 = arith.constant 0 : i32
    %c0_i32_0 = arith.constant 0 : i32
    %c0_i32_1 = arith.constant 0 : i32
    return %c0_i32, %c0_i32_0 : i32, i32
  }
  func.func @transform_4(%arg0: i32) -> (i32, i32) {
    %c0_i32 = arith.constant 0 : i32
    %c0_i32_0 = arith.constant 0 : i32
    %c0_i32_1 = arith.constant 0 : i32
    return %c0_i32, %c0_i32_0 : i32, i32
  }
}

</mosaic_0001>

<sc_bundles>
// kernel: kernel.4.cloned.1.call-start
scs
__scs_entry_jumppad:
0x0: {  	(pc) =	sbr.rel $0x88, $3  }
0x1: {  	(tag) =	ssettag $0x0;
	lr =	simm.s32 $0x1  }
0x2: {  	[smem:$0x3F9F] =	sst lr;
	_ =	strace $0xD0000000  }
0x3: {  	_ = 	snop  }
0x4: {  	_ = 	snop  }
0x5: {  	_ = 	snop  }
0x6: {  	_ = 	snop  }
0x7: {  	_ = 	snop  }
__scs_overlays_trampoline_lowered:
0x8: {  	[smem:$0x3FAE] =	sst s0  }
0x9: {  	[smem:$0x3FAF] =	sst s1  }
0xa: {  	[smem:$0x3FB0] =	sst s2  }
0xb: {  	[smem:$0x3FB1] =	sst s3  }
0xc: {  	[smem:$0x3FB2] =	sst s4  }
0xd: {  	[smem:$0x3FB3] =	sst s5  }
0xe: {  	[smem:$0x3FB4] =	sst s6  }
0xf: {  	[smem:$0x3FB5] =	sst s7  }
0x10: {  	[smem:$0x3FB6] =	sst s8  }
0x11: {  	[smem:$0x3FB7] =	sst s9;
	s0 =	simm.s32 @!p0 $0x0  }
0x12: {  	s1 =	sld [smem:$0x3F9D];
	s0 =	simm.s32 @p0 $0x1  }
0x13: {  	[smem:$0x3FB8] =	sst s0;
	s0 =	simm.s32 @!p1 $0x0  }
0x14: {  	s2 =	sld [smem:$0x3F9C];
	s0 =	simm.s32 @p1 $0x1  }
0x15: {  	[smem:$0x3FB9] =	sst s0;
	s0 =	simm.s32 @!p2 $0x0  }
0x16: {  	s3 =	sld [smem:$0x3FDB];
	s0 =	simm.s32 @p2 $0x1  }
0x17: {  	s4 =	simm.s32 $0x1BF5;
	[smem:$0x3FBB] =	sst s0  }
0x18: {  	s0 =	sld [smem:$0x3F9E];
	_ =	swait.ge [sflag:s4], $0x0  }
0x19: {  	s7 =	sld [smem:$0x3F9F]  }
0x1a: {  	s8 =	sadd.s32 $0xFFFFE003, lr  }
0x1b: {  	s9 =	sadd.s32 $0xFFFFFEF7, lr;
	s5 =	simm.s32 $0xFFFFFFFF;
	p2 =	slt.u32 s8, $0xFFFFF086  }
0x1c: {  	p1 =	slt.u32 s9, $0xF7A;
	s5 =	simm.s32 @!p2 $0x0  }
0x1d: {  	s5 =	simm.s32 @p1 $0x1;
	p0 =	seq.s32 s7, s2  }
0x1e: {  	s7 =	smul.u32 @!p0 $0xF7A, s2;
	p2 =	seq.s32 @!p0 s5, $0x0  }
0x1f: {  	s9 =	smul.u32 $0xF7A, s1;
	s8 =	simm.s32 @!p0 $0x1BF5;
	p2 =	por !p2, p0  }
0x20: {  	[sflag:s8] =	ssyncset.s32 @!p0 $0xFFFFF086;
	s6 =	sadd.s32 @!p0 s3, s7;
	s7 =	simm.s32 @!p0 $0x108  }
0x21: {  	s3 =	sadd.s32 s3, s9;
	s6 =	sadd.s32 @!p0 $0x88, s6;
	s7 =	simm.s32 @p2 $0x1082  }
0x22: {  	[simem:s7], [sflag:s8] =	dma.local @!p0 [hbm:s6], $0xF7A  }
0x23: {  	s9 =	sor.u32 $0xD0000000, s2;
	s6 =	simm.s32 $0x108;
	_ =	swait.ge @!p0 [sflag:s8], $0x0  }
0x24: {  	s3 =	sadd.s32 $0x88, s3;
	s6 =	simm.s32 @!p1 $0x1082;
	[sflag:s4] =	ssyncset.s32 $0xFFFFF086  }
0x25: {  	[simem:s6], [sflag:s4] =	dma.local [hbm:s3], $0xF7A  }
0x26: {  	[smem:$0x3F9F] =	sst s1;
	(tag) =	ssettag s2;
	_ =	strace s9  }
0x27: {  	s1 =	sld [smem:$0x3FAF]  }
0x28: {  	s2 =	sld [smem:$0x3FB0]  }
0x29: {  	s4 =	sld [smem:$0x3FB2]  }
0x2a: {  	p0 =	seq.s32 s5, $0x0;
	s5 =	sld [smem:$0x3FB3]  }
0x2b: {  	s6 =	sld [smem:$0x3FB4]  }
0x2c: {  	s7 =	sld [smem:$0x3FB5]  }
0x2d: {  	s3 =	simm.s32 $0x108;
	s8 =	sld [smem:$0x3FB6]  }
0x2e: {  	s3 =	simm.s32 @!p0 $0x1082;
	s9 =	sld [smem:$0x3FB7]  }
0x2f: {  	lr =	sadd.s32 s0, s3;
	s0 =	sld [smem:$0x3FAE]  }
0x30: {  	s3 =	sld [smem:$0x3FB1]  }
0x31: {  	[smem:$0x3FBA] =	sst s10  }
0x32: {  	s10 =	sld [smem:$0x3FB8];
	_ =	sdelay $0x3  }
0x33: {  	p0 =	seq.s32 s10, $0x1;
	s10 =	sld [smem:$0x3FBA];
	_ =	sdelay $0x3  }
0x34: {  	[smem:$0x3FBA] =	sst s10  }
0x35: {  	s10 =	sld [smem:$0x3FB9];
	_ =	sdelay $0x3  }
0x36: {  	p1 =	seq.s32 s10, $0x1;
	s10 =	sld [smem:$0x3FBA];
	_ =	sdelay $0x3  }
0x37: {  	[smem:$0x3FBA] =	sst s10  }
0x38: {  	s10 =	sld [smem:$0x3FBB]  }
0x39: {  	_ = 	snop;
	(pc) =	sbr.ind lr, $3  }
0x3a: {  	_ = 	snop  }
0x3b: {  	_ = 	snop  }
0x3c: {  	p2 =	seq.s32 s10, $0x1;
	s10 =	sld [smem:$0x3FBA]  }
0x3d: {  	_ =	shalt  }
0x3e: {  	_ =	shalt  }
0x3f: {  	_ =	shalt  }
0x40: {  	_ =	shalt  }
0x41: {  	_ =	shalt  }
0x42: {  	_ =	shalt  }
0x43: {  	_ =	shalt  }
0x44: {  	_ =	shalt  }
0x45: {  	_ =	shalt  }
0x46: {  	_ =	shalt  }
0x47: {  	_ =	shalt  }
0x48: {  	_ =	shalt  }
0x49: {  	_ =	shalt  }
0x4a: {  	_ =	shalt  }
0x4b: {  	_ =	shalt  }
0x4c: {  	_ =	shalt  }
0x4d: {  	_ =	shalt  }
0x4e: {  	_ =	shalt  }
0x4f: {  	_ =	shalt  }
0x50: {  	_ =	shalt  }
0x51: {  	_ =	shalt  }
0x52: {  	_ =	shalt  }
0x53: {  	_ =	shalt  }
0x54: {  	_ =	shalt  }
0x55: {  	_ =	shalt  }
0x56: {  	_ =	shalt  }
0x57: {  	_ =	shalt  }
0x58: {  	_ =	shalt  }
0x59: {  	_ =	shalt  }
0x5a: {  	_ =	shalt  }
0x5b: {  	_ =	shalt  }
0x5c: {  	_ =	shalt  }
0x5d: {  	_ =	shalt  }
0x5e: {  	_ =	shalt  }
0x5f: {  	_ =	shalt  }
0x60: {  	_ =	shalt  }
0x61: {  	_ =	shalt  }
0x62: {  	_ =	shalt  }
0x63: {  	_ =	shalt  }
0x64: {  	_ =	shalt  }
0x65: {  	_ =	shalt  }
0x66: {  	_ =	shalt  }
0x67: {  	_ =	shalt  }
0x68: {  	_ =	shalt  }
0x69: {  	_ =	shalt  }
0x6a: {  	_ =	shalt  }
0x6b: {  	_ =	shalt  }
0x6c: {  	_ =	shalt  }
0x6d: {  	_ =	shalt  }
0x6e: {  	_ =	shalt  }
0x6f: {  	_ =	shalt  }
0x70: {  	_ =	shalt  }
0x71: {  	_ =	shalt  }
0x72: {  	_ =	shalt  }
0x73: {  	_ =	shalt  }
0x74: {  	_ =	shalt  }
0x75: {  	_ =	shalt  }
0x76: {  	_ =	shalt  }
0x77: {  	_ =	shalt  }
0x78: {  	_ =	shalt  }
0x79: {  	_ =	shalt  }
0x7a: {  	_ =	shalt  }
0x7b: {  	_ =	shalt  }
0x7c: {  	_ =	shalt  }
0x7d: {  	_ =	shalt  }
0x7e: {  	_ =	shalt  }
0x7f: {  	_ =	shalt  }
0x80: {  	_ =	shalt  }
0x81: {  	_ =	shalt  }
0x82: {  	_ =	shalt  }
0x83: {  	_ =	shalt  }
0x84: {  	_ =	shalt  }
0x85: {  	_ =	shalt  }
0x86: {  	_ =	shalt  }
0x87: {  	_ =	shalt  }
.Lfunc_end0:
.L_simem_size_0:
called_computation_lowered:
.L_overlay_start_0:
0x88: {  	s2 =	sld [smem:$0x3FD9]  }
0x89: {  	s3 =	sld [smem:$0x3FFE];
	_ =	sdelay $0x1  }
0x8a: {  	s1 =	srdreg.scid  }
0x8b: {  	s0 =	sand.u32 $0x1, s1  }
0x8c: {  	s17 =	sshll.u32 s0, $0xA;
	s2 =	sadd.s32 s3, s2  }
0x8d: {  	s2 =	sadd.s32 s2, s17  }
0x8e: {  	[smem:$0x3FC6] =	sst s2  }
0x8f: {  	_ = 	snop  }
0x90: {  	s2 =	sld [smem:$0x3FC9]  }
0x91: {  	s18 =	sld [smem:$0x3FC8];
	(tm) =	ssettm $0x1  }
0x92: {  	s4 =	sld [smem:$0x3FFB];
	_ =	sdelay $0x3  }
0x93: {  	_ =	strace s4  }
0x94: {  	s4 =	sld [smem:$0x3FFC];
	_ =	sdelay $0x3  }
0x95: {  	_ =	strace s4  }
0x96: {  	s4 =	sld [smem:$0x3FFD];
	_ =	sdelay $0x3  }
0x97: {  	_ =	strace s4  }
0x98: {  	_ =	strace $0x8FFFFFFF  }
0x99: {  	s19 =	sld [smem:$0x3FDB];
	_ =	sdelay $0x1  }
0x9a: {  	s5 =	simm.s32 $_scs_section_size  }
0x9b: {  	s6 =	simm.s32 $_size__tile_overlayer_lowered;
	s7 =	simm.s32 $_tile_overlayer_lowered  }
0x9c: {  	s22 =	simm.s32 $0x1BFF;
	s21 =	sshll.u32 s7, $0x1;
	s4 =	sadd.s32 s5, s19  }
0x9d: {  	s8 =	simm.s32 $0x0;
	s20 =	sshll.u32 s6, $0x1;
	s6 =	sadd.s32 s21, s4  }
0x9e: {  	[timem:s8], [sflag:s22] =	dma.local [hbm:s6], s20  }
0x9f: {  	_ =	swait.ge [sflag:s22], s20  }
0xa0: {  	s5 =	ssub.s32 $0x0, s20;
	[sflag:s22] =	ssyncset.done $0x0  }
0xa1: {  	[sflag:s22] =	ssyncadd.s32 s5;
	_ =	sdelay $0x1  }
0xa2: {  	s23 =	simm.s32 $0x1B8B  }
0xa3: {  	_ =	swait.ge [sflag:s23], $0x1  }
0xa4: {  	[sflag:s23] =	ssyncset.done $0x0  }
0xa5: {  	s25 =	simm.s32 $0x1B8E;
	s24 =	sld [smem:$0x3FFE];
	[sflag:s23] =	ssyncadd.s32 $0xFFFFFFFF  }
0xa6: {  	s26 =	simm.s32 $execute0_lowered;
	[smem:$0x3FD2] =	sst s25  }
0xa7: {  	s6 =	sshll.u32 s26, $0x1;
	_ =	strace $0x80000046;
	[dreg:$0x1] =	wrdreg $0xFFFFFFFF  }
0xa8: {  	s28 =	simm.s32 $_size_execute0_lowered;
	s4 =	sadd.s32 s4, s6;
	[dreg:$0x0] =	wrdreg $0x0  }
0xa9: {  	s6 =	sshll.u32 s28, $0x1;
	[dreg:$0x2] =	wrdreg s4  }
0xaa: {  	[dreg:$0x3] =	wrdreg s6  }
0xab: {  	[dreg:$0x4] =	wrdreg $0xC0  }
0xac: {  	_ =	task [dreg:s8], $0x5FFFF  }
0xad: {  	[dreg:$0x1] =	wrdreg $0xFFFFFFFF  }
0xae: {  	[dreg:$0x0] =	wrdreg $0x60  }
0xaf: {  	[dreg:$0x2] =	wrdreg s2  }
0xb0: {  	[dreg:$0x3] =	wrdreg s18  }
0xb1: {  	[dreg:$0x4] =	wrdreg s24  }
0xb2: {  	[dreg:$0x5] =	wrdreg $0x9  }
0xb3: {  	_ =	task.clear_ibuf [dreg:s8], $0x6FFFF;
	_ =	strace $0x90000046  }
0xb4: {  	s29 =	simm.s32 $0x9;
	_ =	strace $0x80000048  }
0xb5: {  	_ =	swait.ge [sflag:s29], $0x1  }
0xb6: {  	[sflag:s29] =	ssyncadd.s32 $0xFFFFFFFF  }
0xb7: {  	_ =	strace $0x90000048  }
0xb8: {  	_ =	sfence  }
0xb9: {  	s30 =	sld [smem:$0x0];
	_ =	sdelay $0x2  }
0xba: {  	s31 =	sshll.u32 s1, $0xD;
	s1 =	sshrl.u32 s1, $0x2  }
0xbb: {  	s3 =	sand.u32 $0x4000, s31;
	s1 =	sadd.s32 s1, s30  }
0xbc: {  	s0 =	sor.u32 s3, s0;
	s1 =	sshll.u32 s1, $0x11  }
0xbd: {  	s0 =	sor.u32 s1, s0  }
0xbe: {  	s0 =	sadd.s32 $0x8F2B, s0  }
0xbf: {  	[sflag:s0] =	ssyncadd.remote.s32 $0x1  }
0xc0: {  	_ =	sfence.sel $0xFFFF  }
0xc1: {  	[dreg:$0x0] =	wrdreg $0xFFFFFFFF;
	(pc) =	sbr.abs _section_cstart, $3  }
0xc2: {  	[dreg:$0x1] =	wrdreg $0xFFFFFFFF  }
0xc3: {  	_ =	task.clear_ibuf [dreg:s8], $0x2FFFF;
	_ =	strace $0x9FFFFFFF  }
0xc4: {  	(tm) =	ssettm $0x7FFFFFFF  }
0xc5: {  	_ =	shalt  }
tec
execute0_lowered:
.L_overlay_start_1:
0x0: {  	(tag) =	ssettag $0x1  }
0x1: {  	s1 =	rddreg [dreg:$0x0]  }
0x2: {  	s2 =	rddreg [dreg:$0x1]  }
0x3: {  	s8 =	rddreg [dreg:$0x2];
	s3 =	simm.s32 $0x0  }
0x4: {  	v0 =	vimm.s32 $0xFEDCBA98;
	v1 =	vimm.s32 $0x76543210;
	[smem:$0x7FF] =	sst s3  }
0x5: {  	s0 =	rddreg [dreg:$0x3];
	v2 =	vimm.f32 $4.096000000e+03;
	v3 =	vimm.s32 $0xDCFE98BA;
	v0 =	vunpack.c.l.s4.s8 v0;
	_ =	strace $0x80000047  }
0x6: {  	v4 =	vimm.s32 $0x54761032;
	v1 =	vunpack.c.l.s4.s8 v1;
	(erf) = vrcp.f32 v2  }
0x7: {  	v5 =	vimm.s32 $0xEFCDAB89;
	v6 =	vimm.s32 $0x67452301;
	v0 =	vunpack.c.0.s8.s32 v0  }
0x8: {  	s5 =	srdreg.scid;
	s4 =	stileid.u32;
	v3 =	vunpack.c.l.s4.s8 v3;
	v4 =	vunpack.c.l.s4.s8 v4;
	v1 =	vunpack.c.0.s8.s32 v1  }
0x9: {  	s12 =	simm.s32 $0x1000;
	s5 =	sand.u32 $0x1, s5;
	s7 =	sshll.u32 s4, $0x1;
	v5 =	vunpack.c.l.s4.s8 v5;
	v6 =	vunpack.c.l.s4.s8 v6;
	v0 =	vand.u32 $0xF, v0  }
0xa: {  	s14 =	simm.s32 $0x0;
	s6 =	ssub.s32 $0x2, s5;
	s13 =	sor.u32 s5, s7;
	v2 =	vimm.s32 $0x32107654;
	v0 =	vcombine.low v0, v1;
	v1 =	vimm.s32 $0xBA98FEDC  }
.Ltmp0:
0xb: {  	s7 =	sadd.s32 $0x40, s8;
	s9 =	sshrl.u32 s6, $0x1;
	v8 =	vunpack.c.0.s8.s32 v3;
	v2 =	vunpack.c.l.s4.s8 v2;
	v1 =	vunpack.c.l.s4.s8 v1;
	(pc) =	sbr.rel .LBB2_1-.Ltmp0, $4  }
0xc: {  	s5 =	sor.u32 $0x5E0, s13;
	s31 =	sshll.u32 s13, $0x1;
	s10 =	sand.u32 $0xF, s13;
	v4 =	vunpack.c.0.s8.s32 v4;
	v9 =	vunpack.c.0.s8.s32 v5;
	v6 =	vunpack.c.0.s8.s32 v6  }
0xd: {  	s11 =	sadd.s32 $0x5E1, s13;
	p0 =	sne.s32 s13, $0x1F;
	s13 =	simm.s32 $0x2000;
	v2 =	vunpack.c.0.s8.s32 v2;
	v7 =	vunpack.c.0.s8.s32 v1  }
0xe: {  	v3 =	vlaneseq.u32;
	s9 =	ssub.s32 s6, s9;
	s6 =	sadd.s32 s8, s31;
	s8 =	sadd.s32 $0x42, s8;
	v4 =	vcombine.low v4, v8;
	v6 =	vcombine.low v6, v9  }
0xf: {  	s9 =	smax.u32 s9, $0x1;
	v1 =	vmov s10;
	s10 =	sshrl.u32 s11, $0x4;
	s11 =	simm.s32 $0x1;
	v2 =	vcombine.low v2, v7;
	v7 =	vmul.u32 $0x2, v3;
	v5 =	vpop (erf)  }
.LBB2_15:
0x10: {  	s14 =	sadd.s32 $0x1, s14  }
0x11: {  	p1 =	sne.s32 s14, s9  }
.Ltmp1:
0x12: {  	_ = 	snop;
	(pc) =	sbr.rel @!p1 .LBB2_16-.Ltmp1, $1  }
0x13: {  	_ =	sdelay $0x3  }
.LBB2_1:
0x14: {  	[tilespmem:s3], [sflag:$0x1] =	stream.linear.gather [hbm4b:s1+s3], $0x1000, $0x38;
	[tilespmem:$0x2080] =	vst v63  }
0x15: {  	_ =	swait.ge [sflag:s11], $0x1000  }
0x16: {  	[sflag:s11] =	ssyncset.done $0x0  }
.Ltmp2:
0x17: {  	[sflag:s11] =	ssyncadd.s32 $0xFFFFF000;
	(pc) =	sbr.rel .LBB2_2-.Ltmp2, $4  }
0x18: {  	[tilespmem:s12], [sflag:$0x1] =	stream.linear.gather [hbm4b:s2+s3], $0x1000, $0x38;
	[tilespmem:$0x2080] =	vst v63  }
0x19: {  	v8 =	vimm.f32 $0.0e+00;
	v9 =	vimm.f32 $0.0e+00;
	_ =	swait.ge [sflag:s11], $0x1000  }
0x1a: {  	v10 =	vimm.f32 $0.0e+00;
	v11 =	vimm.f32 $0.0e+00;
	v12 =	vimm.f32 $0.0e+00;
	[sflag:s11] =	ssyncset.done $0x0  }
0x1b: {  	s15 =	smov.u32 s10;
	v13 =	vimm.f32 $0.0e+00;
	v14 =	vimm.f32 $0.0e+00;
	v15 =	vimm.f32 $0.0e+00;
	s16 =	simm.s32 $0x0;
	[sflag:s11] =	ssyncadd.s32 $0xFFFFF000  }
.LBB2_5:
0x1c: {  	v16 =	vadd.f32 $1.415869770e-04, v43;
	v55 =	vadd.f32 $1.415869770e-04, v44  }
0x1d: {  	vm1 =	vgt.f32 v17, v35;
	v26 =	vadd.f32 v32, v26;
	v56 =	vadd.f32 $1.415869770e-04, v42  }
0x1e: {  	vm2 =	vgt.f32 v17, v34;
	v25 =	vadd.f32 v39, v25;
	v27 =	vadd.f32 v41, v27  }
0x1f: {  	vm3 =	vgt.f32 v17, v33;
	v28 =	vadd.f32 v40, v28;
	vm4 =	vgt.f32 v17, v36  }
0x20: {  	vm5 =	vgt.f32 v17, v38;
	v24 =	vnsel vm0, $0x0, v24;
	vm15 =	vgt.f32 v17, v37  }
0x21: {  	v17 =	vnsel vm1, $0x0, v18;
	v59 =	vnsel vm2, $0x0, v19;
	v16 =	vadd.f32 v16, v29  }
0x22: {  	v60 =	vnsel vm3, $0x0, v21;
	v57 =	vadd.f32 v55, v30;
	v58 =	vadd.f32 v56, v31  }
0x23: {  	v20 =	vnsel vm4, $0x0, v20;
	v61 =	vsub.f32 v26, v24;
	v17 =	vsub.f32 v25, v17  }
0x24: {  	v22 =	vnsel vm5, $0x0, v22;
	v18 =	vsub.f32 v27, v59;
	v19 =	vsub.f32 v28, v60  }
0x25: {  	v23 =	vnsel vm15, $0x0, v23;
	v16 =	vsub.f32 v16, v20;
	v62 =	vsub.f32 v57, v22  }
0x26: {  	v15 =	vadd.f32 v61, v15;
	v63 =	vsub.f32 v58, v23  }
0x27: {  	v14 =	vadd.f32 v17, v14;
	v13 =	vadd.f32 v18, v13  }
0x28: {  	v12 =	vadd.f32 v19, v12;
	v11 =	vadd.f32 v16, v11  }
0x29: {  	v10 =	vadd.f32 v62, v10;
	v9 =	vadd.f32 v63, v9  }
.LBB2_6:
0x2a: {  	s16 =	sadd.s32 $0x1, s16  }
0x2b: {  	p1 =	sne.s32 s16, $0x51  }
.Ltmp3:
0x2c: {  	_ = 	snop;
	(pc) =	sbr.rel @!p1 .LBB2_7-.Ltmp3, $2  }
0x2d: {  	_ =	sdelay $0x2  }
0x2e: {  	s15 =	sadd.s32 $0x2, s15  }
.LBB2_2:
0x2f: {  	s17 =	sshll.u32 s16, $0x5  }
0x30: {  	s17 =	sadd.s32 s5, s17  }
0x31: {  	s18 =	sadd.s32 $0x1, s17  }
0x32: {  	s18 =	sshrl.u32 s18, $0x4  }
0x33: {  	s21 =	sand.u32 $0x1FF0, s17;
	s18 =	smin.u32 s18, $0xFF  }
0x34: {  	v16 =	vld [tilespmem:s21+$0x0];
	s20 =	sshll.u32 s18, $0x4  }
0x35: {  	s19 =	sand.u32 $0xF80, s20  }
0x36: {  	v17 =	vld [tilespmem:s19+$0x0];
	_ =	sdelay $0x2  }
0x37: {  	v16 =	vperm.xlane v16, v1;
	_ =	sdelay $0x1  }
0x38: {  	v18 =	vsub.f32 v16, v17;
	_ =	sdelay $0x1  }
0x39: {  	v19 =	vand.u32 $0x7FFFFFFF, v18  }
0x3a: {  	v17 =	vsub.f32 $0.0e+00, v19;
	_ =	sdelay $0x1  }
0x3b: {  	v17 =	vmul.f32 $1.442695020e+00, v17;
	_ =	sdelay $0x1  }
0x3c: {  	(erf) = vpow2.f32 v17;
	v17 =	vld [tilespmem:s19+$0x10];
	_ =	sdelay $0x4  }
0x3d: {  	v20 =	vsub.f32 v16, v17;
	v17 =	vld [tilespmem:s19+$0x20];
	_ =	sdelay $0x2  }
0x3e: {  	v21 =	vand.u32 $0x7FFFFFFF, v20  }
0x3f: {  	v22 =	vsub.f32 $0.0e+00, v21;
	v23 =	vpop (erf)  }
0x40: {  	v24 =	vmul.f32 $5.486225710e-02, v23;
	v25 =	vsub.f32 v16, v17  }
0x41: {  	v26 =	vld [tilespmem:s19+$0x30];
	v22 =	vmul.f32 $1.442695020e+00, v22  }
0x42: {  	v29 =	vld [tilespmem:s19+$0x40];
	v17 =	vsub.f32 $2.164084020e-01, v24;
	v59 =	vand.u32 $0x7FFFFFFF, v25  }
0x43: {  	v27 =	vld [tilespmem:s21+$0x1000];
	(erf) = vpow2.f32 v22;
	v60 =	vsub.f32 $0.0e+00, v59  }
0x44: {  	v32 =	vld [tilespmem:s19+$0x50];
	s24 =	sor.u32 $0x10, s19;
	v17 =	vmul.f32 v17, v23  }
0x45: {  	v63 =	vor.u32 s19, v3;
	s25 =	sor.u32 $0x20, s19;
	v33 =	vor.u32 s24, v3;
	v24 =	vmul.f32 $1.442695020e+00, v60  }
0x46: {  	s26 =	sor.u32 $0x30, s19;
	v45 =	vor.u32 s25, v3;
	v26 =	vsub.f32 v16, v26;
	v17 =	vadd.f32 $-4.640704990e-01, v17  }
0x47: {  	v36 =	vor.u32 s26, v3;
	v29 =	vsub.f32 v16, v29;
	(erf) = vpow2.f32 v24  }
0x48: {  	v61 =	vmul.f32 v17, v23;
	v17 =	vperm.xlane v27, v1;
	v27 =	vand.u32 $0x7FFFFFFF, v26  }
0x49: {  	s28 =	sor.u32 $0x40, s19;
	v32 =	vsub.f32 v16, v32;
	v37 =	vand.u32 $0x7FFFFFFF, v29;
	v31 =	vsub.f32 $0.0e+00, v27  }
0x4a: {  	v38 =	vor.u32 s28, v3;
	v39 =	vsub.f32 $0.0e+00, v37;
	v24 =	vadd.f32 $9.954265950e-01, v61  }
0x4b: {  	v28 =	vld [tilespmem:s19+$0x1000];
	vm13 =	vgt.u32 v63, s17;
	vm4 =	vgt.u32 v33, s17;
	v31 =	vmul.f32 $1.442695020e+00, v31  }
0x4c: {  	s29 =	sor.u32 $0x70, s20;
	v49 =	vmul.f32 $1.442695020e+00, v39;
	v39 =	vand.u32 $0x7FFFFFFF, v32;
	v30 =	vpop (erf);
	v23 =	vmul.f32 v24, v23  }
0x4d: {  	v47 =	vld [tilespmem:s29+$0x0];
	v41 =	vsub.f32 $0.0e+00, v39;
	v62 =	vmul.f32 $5.486225710e-02, v30;
	(erf) = vpow2.f32 v31  }
0x4e: {  	v40 =	vld [tilespmem:s19+$0x60];
	vm5 =	vgt.u32 v45, s17;
	v19 =	vmul.f32 $5.000000000e-01, v19;
	v23 =	vadd.f32 $1.415869770e-04, v23  }
0x4f: {  	vm8 =	vgt.u32 v36, s17;
	v50 =	vmul.f32 $1.442695020e+00, v41;
	v24 =	vsub.f32 $2.164084020e-01, v62  }
0x50: {  	v21 =	vmul.f32 $5.000000000e-01, v21;
	vm0 =	vgt.f32 v17, v28;
	v19 =	vadd.f32 v23, v19;
	v46 =	vpop (erf)  }
0x51: {  	v18 =	vnsel vm0, $0x0, v18;
	v44 =	vmul.f32 v24, v30;
	v35 =	vmul.f32 $5.486225710e-02, v46  }
0x52: {  	(erf) = vpow2.f32 v49;
	v23 =	vsub.f32 v16, v47;
	v18 =	vsub.f32 v19, v18  }
0x53: {  	v22 =	vmul.f32 $5.000000000e-01, v59;
	v48 =	vsub.f32 $2.164084020e-01, v35;
	v35 =	vsub.f32 v16, v40  }
0x54: {  	(erf) = vpow2.f32 v50;
	v19 =	vadd.f32 $-4.640704990e-01, v44;
	v18 =	vnsel vm13, $0x0, v18  }
0x55: {  	v15 =	vadd.f32 v18, v15;
	v18 =	vmul.f32 v48, v46;
	v28 =	vand.u32 $0x7FFFFFFF, v35  }
0x56: {  	v34 =	vld [tilespmem:s19+$0x1010];
	v42 =	vand.u32 $0x7FFFFFFF, v23;
	v19 =	vmul.f32 v19, v30;
	v51 =	vpop (erf);
	v53 =	vsub.f32 $0.0e+00, v28  }
0x57: {  	v43 =	vld [tilespmem:s19+$0x1020];
	v55 =	vsub.f32 $0.0e+00, v42;
	v18 =	vadd.f32 $-4.640704990e-01, v18;
	v52 =	vmul.f32 $5.486225710e-02, v51  }
0x58: {  	v27 =	vmul.f32 $5.000000000e-01, v27;
	v19 =	vadd.f32 $9.954265950e-01, v19;
	v41 =	vmul.f32 $1.442695020e+00, v53  }
0x59: {  	v40 =	vmul.f32 $1.442695020e+00, v55;
	v18 =	vmul.f32 v18, v46;
	v54 =	vsub.f32 $2.164084020e-01, v52  }
0x5a: {  	vm10 =	vgt.u32 v38, s17;
	v19 =	vmul.f32 v19, v30;
	(erf) = vpow2.f32 v41  }
0x5b: {  	v50 =	vld [tilespmem:s19+$0x1050];
	v57 =	vpop (erf);
	v18 =	vadd.f32 $9.954265950e-01, v18;
	v30 =	vmul.f32 v54, v51;
	(erf) = vpow2.f32 v40  }
0x5c: {  	vm14 =	vgt.f32 v17, v34;
	vm15 =	vgt.f32 v17, v43;
	v19 =	vadd.f32 $1.415869770e-04, v19  }
0x5d: {  	v20 =	vnsel vm14, $0x0, v20;
	v60 =	vpop (erf);
	v18 =	vmul.f32 v18, v46;
	v56 =	vadd.f32 $-4.640704990e-01, v30  }
0x5e: {  	v61 =	vnsel vm15, $0x0, v25;
	v63 =	vmul.f32 $5.486225710e-02, v60;
	v19 =	vadd.f32 v19, v21  }
0x5f: {  	v49 =	vmul.f32 $5.000000000e-01, v37;
	v18 =	vadd.f32 $1.415869770e-04, v18;
	v59 =	vmul.f32 v56, v51  }
0x60: {  	vm9 =	vgt.f32 v17, v50;
	v41 =	vsub.f32 $2.164084020e-01, v63;
	v19 =	vsub.f32 v19, v20  }
0x61: {  	v58 =	vmul.f32 $5.486225710e-02, v57;
	v18 =	vadd.f32 v18, v22;
	v20 =	vadd.f32 $9.954265950e-01, v59  }
0x62: {  	v55 =	vnsel vm9, $0x0, v32;
	v52 =	vmul.f32 $5.000000000e-01, v39;
	v25 =	vmul.f32 v41, v60  }
0x63: {  	v62 =	vsub.f32 $2.164084020e-01, v58;
	v18 =	vsub.f32 v18, v61;
	v20 =	vmul.f32 v20, v51;
	v43 =	vpop (erf)  }
0x64: {  	v58 =	vmul.f32 $5.000000000e-01, v28;
	v25 =	vadd.f32 $-4.640704990e-01, v25;
	v44 =	vmul.f32 $5.486225710e-02, v43;
	v45 =	vpop (erf)  }
0x65: {  	v40 =	vld [tilespmem:s19+$0x1030];
	v18 =	vnsel vm5, $0x0, v18;
	v20 =	vadd.f32 $1.415869770e-04, v20;
	v46 =	vmul.f32 $5.486225710e-02, v45  }
0x66: {  	v33 =	vmul.f32 v62, v57;
	v13 =	vadd.f32 v18, v13;
	v18 =	vld [tilespmem:s19+$0x1040];
	v47 =	vsub.f32 $2.164084020e-01, v44  }
0x67: {  	v54 =	vld [tilespmem:s19+$0x1060];
	v19 =	vnsel vm4, $0x0, v19;
	v20 =	vadd.f32 v20, v27;
	v27 =	vsub.f32 $2.164084020e-01, v46  }
0x68: {  	s20 =	sor.u32 $0x1070, s20;
	v14 =	vadd.f32 v19, v14;
	v19 =	vadd.f32 $-4.640704990e-01, v33;
	v24 =	vmul.f32 v47, v43  }
0x69: {  	v62 =	vor.u32 s29, v3;
	v56 =	vld [tilespmem:s20+$0x0];
	v25 =	vmul.f32 v25, v60;
	v48 =	vmul.f32 v27, v45  }
0x6a: {  	vm15 =	vgt.u32 v62, s17;
	v19 =	vmul.f32 v19, v57;
	v24 =	vadd.f32 $-4.640704990e-01, v24  }
0x6b: {  	vm7 =	vgt.f32 v17, v18;
	v18 =	vadd.f32 $9.954265950e-01, v25;
	v25 =	vadd.f32 $-4.640704990e-01, v48  }
0x6c: {  	vm6 =	vgt.f32 v17, v40;
	vm12 =	vgt.f32 v17, v54;
	v19 =	vadd.f32 $9.954265950e-01, v19  }
0x6d: {  	v26 =	vnsel vm6, $0x0, v26;
	v24 =	vmul.f32 v24, v43;
	v25 =	vmul.f32 v25, v45  }
0x6e: {  	v59 =	vmul.f32 $5.000000000e-01, v42;
	vm13 =	vgt.f32 v17, v56;
	v19 =	vmul.f32 v19, v57  }
0x6f: {  	s30 =	sor.u32 $0x50, s19;
	v23 =	vnsel vm13, $0x0, v23;
	v53 =	vadd.f32 $9.954265950e-01, v24;
	v25 =	vadd.f32 $9.954265950e-01, v25  }
0x70: {  	v57 =	vor.u32 s30, v3;
	v19 =	vadd.f32 $1.415869770e-04, v19;
	v18 =	vmul.f32 v18, v60  }
0x71: {  	s19 =	sor.u32 $0x60, s19;
	v20 =	vsub.f32 v20, v26;
	v21 =	vmul.f32 v53, v43;
	v25 =	vmul.f32 v25, v45  }
0x72: {  	v61 =	vor.u32 s19, v3;
	v19 =	vadd.f32 v19, v49;
	v18 =	vadd.f32 $1.415869770e-04, v18  }
0x73: {  	v51 =	vnsel vm7, $0x0, v29;
	v21 =	vadd.f32 $1.415869770e-04, v21;
	v25 =	vadd.f32 $1.415869770e-04, v25  }
0x74: {  	s31 =	sshrl.u32 s18, $0x3;
	vm11 =	vgt.u32 v57, s17;
	v19 =	vsub.f32 v19, v51;
	v18 =	vadd.f32 v18, v52  }
0x75: {  	p1 =	seq.s32 s31, $0x1F;
	vm14 =	vgt.u32 v61, s17;
	v21 =	vadd.f32 v21, v58;
	v60 =	vadd.f32 v25, v59  }
.Ltmp4:
0x76: {  	v20 =	vnsel vm8, $0x0, v20;
	v24 =	vnsel vm12, $0x0, v35;
	v18 =	vsub.f32 v18, v55;
	(pc) =	sbr.rel @p1 .LBB2_6-.Ltmp4, $4  }
0x77: {  	v19 =	vnsel vm10, $0x0, v19;
	v21 =	vsub.f32 v21, v24;
	v22 =	vsub.f32 v60, v23  }
0x78: {  	v12 =	vadd.f32 v20, v12;
	v11 =	vadd.f32 v19, v11;
	v18 =	vnsel vm11, $0x0, v18  }
0x79: {  	v10 =	vadd.f32 v18, v10;
	v63 =	vnsel vm14, $0x0, v21;
	v18 =	vnsel vm15, $0x0, v22  }
0x7a: {  	v9 =	vadd.f32 v63, v9;
	v8 =	vadd.f32 v18, v8  }
0x7b: {  	s17 =	smin.u32 s15, $0xFF  }
0x7c: {  	s18 =	sshrl.u32 s17, $0x3  }
0x7d: {  	s17 =	sshll.u32 s18, $0x7  }
0x7e: {  	s19 =	sadd.s32 $0xF0, s17  }
0x7f: {  	v18 =	vld [tilespmem:s19+$0x0];
	_ =	sdelay $0x1  }
0x80: {  	v19 =	vld [tilespmem:s19+$0xFFFFFFA0]  }
0x81: {  	v20 =	vld [tilespmem:s19+$0xFFFFFFB0]  }
0x82: {  	v21 =	vld [tilespmem:s19+$0xFFFFFFC0]  }
0x83: {  	v22 =	vld [tilespmem:s19+$0xFFFFFFD0];
	v32 =	vsub.f32 v16, v18  }
0x84: {  	v23 =	vld [tilespmem:s19+$0xFFFFFF90]  }
0x85: {  	v25 =	vld [tilespmem:s19+$0xFFFFFFE0];
	v33 =	vand.u32 $0x7FFFFFFF, v32  }
0x86: {  	v18 =	vsub.f32 v16, v19;
	v24 =	vsub.f32 $0.0e+00, v33  }
0x87: {  	v26 =	vld [tilespmem:s19+$0xFFFFFFF0];
	v19 =	vsub.f32 v16, v20  }
0x88: {  	v21 =	vsub.f32 v16, v21;
	v27 =	vand.u32 $0x7FFFFFFF, v18;
	v28 =	vmul.f32 $1.442695020e+00, v24  }
0x89: {  	v29 =	vsub.f32 $0.0e+00, v27;
	v24 =	vsub.f32 v16, v23  }
0x8a: {  	v20 =	vsub.f32 v16, v22;
	v22 =	vsub.f32 v16, v25;
	(erf) = vpow2.f32 v28  }
0x8b: {  	v30 =	vand.u32 $0x7FFFFFFF, v21;
	v29 =	vmul.f32 $1.442695020e+00, v29;
	v34 =	vand.u32 $0x7FFFFFFF, v24  }
0x8c: {  	v23 =	vsub.f32 v16, v26;
	v28 =	vand.u32 $0x7FFFFFFF, v19;
	v26 =	vsub.f32 $0.0e+00, v34  }
0x8d: {  	v31 =	vand.u32 $0x7FFFFFFF, v20;
	v25 =	vsub.f32 $0.0e+00, v28;
	(erf) = vpow2.f32 v29  }
0x8e: {  	v35 =	vand.u32 $0x7FFFFFFF, v22;
	v36 =	vsub.f32 $0.0e+00, v30;
	v26 =	vmul.f32 $1.442695020e+00, v26  }
0x8f: {  	v37 =	vsub.f32 $0.0e+00, v31;
	v39 =	vsub.f32 $0.0e+00, v35;
	v25 =	vmul.f32 $1.442695020e+00, v25  }
0x90: {  	v36 =	vmul.f32 $1.442695020e+00, v36;
	v38 =	vand.u32 $0x7FFFFFFF, v23;
	(erf) = vpow2.f32 v26  }
0x91: {  	v37 =	vmul.f32 $1.442695020e+00, v37;
	v29 =	vsub.f32 $0.0e+00, v38;
	(erf) = vpow2.f32 v25  }
0x92: {  	s17 =	sadd.s32 $0x10F0, s17;
	v26 =	vmul.f32 $1.442695020e+00, v39;
	(erf) = vpow2.f32 v36  }
0x93: {  	v48 =	vld [tilespmem:s17+$0x0];
	v25 =	vmul.f32 $1.442695020e+00, v29;
	v56 =	vpop (erf);
	(erf) = vpow2.f32 v37  }
0x94: {  	v29 =	vmul.f32 $5.486225710e-02, v56;
	(erf) = vpow2.f32 v26  }
0x95: {  	v55 =	vld [tilespmem:s17+$0xFFFFFF90];
	(erf) = vpow2.f32 v25  }
0x96: {  	v37 =	vpop (erf);
	v25 =	vmul.f32 $5.000000000e-01, v27;
	v27 =	vmul.f32 $5.000000000e-01, v28;
	v29 =	vsub.f32 $2.164084020e-01, v29  }
0x97: {  	v28 =	vmul.f32 $5.000000000e-01, v30;
	v58 =	vmul.f32 $5.486225710e-02, v37  }
0x98: {  	vm0 =	vgt.f32 v17, v48;
	v30 =	vmul.f32 $5.000000000e-01, v35;
	v57 =	vmul.f32 v29, v56  }
0x99: {  	v35 =	vsub.f32 $2.164084020e-01, v58;
	v29 =	vmul.f32 $5.000000000e-01, v31;
	v31 =	vmul.f32 $5.000000000e-01, v38;
	v38 =	vpop (erf)  }
0x9a: {  	v32 =	vnsel vm0, $0x0, v32;
	vm0 =	vgt.f32 v17, v55;
	v59 =	vmul.f32 $5.486225710e-02, v38  }
0x9b: {  	v26 =	vmul.f32 $5.000000000e-01, v34;
	v40 =	vpop (erf);
	v35 =	vmul.f32 v35, v37;
	v34 =	vadd.f32 $-4.640704990e-01, v57  }
0x9c: {  	v33 =	vmul.f32 $5.000000000e-01, v33;
	v41 =	vmul.f32 $5.486225710e-02, v40;
	v42 =	vpop (erf);
	v39 =	vsub.f32 $2.164084020e-01, v59  }
0x9d: {  	v43 =	vmul.f32 $5.486225710e-02, v42;
	v63 =	vadd.f32 $-4.640704990e-01, v35;
	v34 =	vmul.f32 v34, v56;
	v44 =	vpop (erf)  }
0x9e: {  	v41 =	vsub.f32 $2.164084020e-01, v41;
	v45 =	vmul.f32 $5.486225710e-02, v44;
	v46 =	vpop (erf);
	v39 =	vmul.f32 v39, v38  }
0x9f: {  	v43 =	vsub.f32 $2.164084020e-01, v43;
	v34 =	vadd.f32 $9.954265950e-01, v34;
	v47 =	vmul.f32 $5.486225710e-02, v46;
	v49 =	vpop (erf)  }
0xa0: {  	v60 =	vmul.f32 v41, v40;
	v45 =	vsub.f32 $2.164084020e-01, v45;
	v50 =	vmul.f32 $5.486225710e-02, v49  }
0xa1: {  	v39 =	vadd.f32 $-4.640704990e-01, v39;
	v43 =	vmul.f32 v43, v42;
	v34 =	vmul.f32 v34, v56  }
0xa2: {  	v61 =	vsub.f32 $2.164084020e-01, v47;
	v36 =	vadd.f32 $-4.640704990e-01, v60;
	v45 =	vmul.f32 v45, v44  }
0xa3: {  	v62 =	vsub.f32 $2.164084020e-01, v50;
	v39 =	vmul.f32 v39, v38;
	v50 =	vmul.f32 v63, v37  }
0xa4: {  	v51 =	vadd.f32 $-4.640704990e-01, v43;
	v34 =	vadd.f32 $1.415869770e-04, v34;
	v41 =	vmul.f32 v61, v46  }
0xa5: {  	v36 =	vmul.f32 v36, v40;
	v52 =	vadd.f32 $-4.640704990e-01, v45;
	v39 =	vadd.f32 $9.954265950e-01, v39  }
0xa6: {  	v48 =	vmul.f32 v62, v49;
	v56 =	vadd.f32 $9.954265950e-01, v50;
	v33 =	vadd.f32 v34, v33  }
0xa7: {  	s18 =	sadd.s32 $0xFFFFFFFF, s18;
	v53 =	vmul.f32 v51, v42;
	v41 =	vadd.f32 $-4.640704990e-01, v41;
	v36 =	vadd.f32 $9.954265950e-01, v36  }
0xa8: {  	s18 =	sadd.s32 $0x1, s18;
	v43 =	vmul.f32 v52, v44;
	v54 =	vadd.f32 $-4.640704990e-01, v48;
	v38 =	vmul.f32 v39, v38  }
0xa9: {  	p1 =	slt.u32 s18, $0x1E;
	v35 =	vld [tilespmem:s17+$0xFFFFFFA0];
	v58 =	vadd.f32 $9.954265950e-01, v53;
	v37 =	vmul.f32 v56, v37;
	v57 =	vmul.f32 v41, v46  }
.Ltmp5:
0xaa: {  	v34 =	vld [tilespmem:s17+$0xFFFFFFB0];
	v32 =	vsub.f32 v33, v32;
	v59 =	vmul.f32 v54, v49;
	v60 =	vadd.f32 $9.954265950e-01, v43;
	(pc) =	sbr.rel @!p1 .LBB2_5-.Ltmp5, $4  }
0xab: {  	v33 =	vld [tilespmem:s17+$0xFFFFFFC0];
	v40 =	vmul.f32 v36, v40;
	v39 =	vadd.f32 $1.415869770e-04, v37;
	v61 =	vadd.f32 $9.954265950e-01, v57  }
0xac: {  	v36 =	vld [tilespmem:s17+$0xFFFFFFD0];
	v63 =	vmul.f32 v58, v42;
	v8 =	vadd.f32 v32, v8;
	v62 =	vadd.f32 $9.954265950e-01, v59  }
0xad: {  	v37 =	vld [tilespmem:s17+$0xFFFFFFF0];
	v32 =	vadd.f32 $1.415869770e-04, v38;
	v43 =	vmul.f32 v60, v44;
	v44 =	vmul.f32 v61, v46  }
0xae: {  	s19 =	sadd.s32 $0x80, s19;
	v38 =	vld [tilespmem:s17+$0xFFFFFFE0];
	v41 =	vadd.f32 $1.415869770e-04, v40;
	v40 =	vadd.f32 $1.415869770e-04, v63;
	v42 =	vmul.f32 v62, v49  }
.LBB2_4:
0xaf: {  	v45 =	vld [tilespmem:s19+$0x0];
	s18 =	sadd.s32 $0x1, s18;
	vm3 =	vgt.f32 v17, v35;
	v35 =	vadd.f32 $1.415869770e-04, v43;
	v43 =	vadd.f32 $1.415869770e-04, v44  }
0xb0: {  	v46 =	vadd.f32 v32, v26;
	vm4 =	vgt.f32 v17, v34;
	v26 =	vadd.f32 $1.415869770e-04, v42;
	v44 =	vld [tilespmem:s19+$0xFFFFFFA0];
	p1 =	slt.u32 s18, $0x1E  }
0xb1: {  	v39 =	vadd.f32 v39, v25;
	v41 =	vadd.f32 v41, v27;
	vm5 =	vgt.f32 v17, v33;
	v34 =	vld [tilespmem:s19+$0xFFFFFFB0]  }
0xb2: {  	v28 =	vadd.f32 v40, v28;
	vm2 =	vgt.f32 v17, v36;
	v29 =	vadd.f32 v35, v29;
	v25 =	vld [tilespmem:s19+$0xFFFFFFC0]  }
0xb3: {  	vm1 =	vgt.f32 v17, v38;
	v35 =	vadd.f32 v43, v30;
	v36 =	vadd.f32 v26, v31;
	v27 =	vld [tilespmem:s19+$0xFFFFFFD0]  }
0xb4: {  	v30 =	vnsel vm0, $0x0, v24;
	vm0 =	vgt.f32 v17, v37;
	v26 =	vld [tilespmem:s19+$0xFFFFFFE0];
	v32 =	vsub.f32 v16, v45  }
0xb5: {  	v31 =	vnsel vm3, $0x0, v18;
	v37 =	vnsel vm4, $0x0, v19;
	v24 =	vld [tilespmem:s19+$0xFFFFFFF0];
	v18 =	vsub.f32 v16, v44  }
0xb6: {  	v38 =	vld [tilespmem:s19+$0xFFFFFF90];
	v19 =	vsub.f32 v16, v34;
	v33 =	vand.u32 $0x7FFFFFFF, v32;
	v34 =	vnsel vm5, $0x0, v21  }
0xb7: {  	v40 =	vand.u32 $0x7FFFFFFF, v18;
	v21 =	vsub.f32 v16, v25;
	v25 =	vsub.f32 $0.0e+00, v33  }
0xb8: {  	v42 =	vsub.f32 $0.0e+00, v40;
	v43 =	vand.u32 $0x7FFFFFFF, v19;
	v27 =	vsub.f32 v16, v27  }
0xb9: {  	v44 =	vand.u32 $0x7FFFFFFF, v21;
	v26 =	vsub.f32 v16, v26;
	v25 =	vmul.f32 $1.442695020e+00, v25  }
0xba: {  	v45 =	vsub.f32 $0.0e+00, v43;
	v47 =	vand.u32 $0x7FFFFFFF, v27;
	v48 =	vsub.f32 v16, v24  }
0xbb: {  	v24 =	vsub.f32 v16, v38;
	v38 =	vand.u32 $0x7FFFFFFF, v26;
	(erf) = vpow2.f32 v25  }
0xbc: {  	v25 =	vsub.f32 $0.0e+00, v44;
	v49 =	vsub.f32 $0.0e+00, v47;
	v50 =	vand.u32 $0x7FFFFFFF, v48  }
0xbd: {  	v52 =	vsub.f32 $0.0e+00, v38;
	v51 =	vand.u32 $0x7FFFFFFF, v24;
	v53 =	vsub.f32 $0.0e+00, v50  }
0xbe: {  	v42 =	vmul.f32 $1.442695020e+00, v42;
	v45 =	vmul.f32 $1.442695020e+00, v45;
	v54 =	vsub.f32 $0.0e+00, v51  }
0xbf: {  	v56 =	vnsel vm2, $0x0, v20;
	v20 =	vmovc v27;
	v55 =	vmul.f32 $1.442695020e+00, v25;
	v49 =	vmul.f32 $1.442695020e+00, v49  }
0xc0: {  	v52 =	vmul.f32 $1.442695020e+00, v52;
	v25 =	vmul.f32 $1.442695020e+00, v54;
	v54 =	vnsel vm1, $0x0, v22;
	v22 =	vmovc v26  }
0xc1: {  	v53 =	vmul.f32 $1.442695020e+00, v53;
	(erf) = vpow2.f32 v42;
	v42 =	vnsel vm0, $0x0, v23;
	v23 =	vmovc v48  }
0xc2: {  	v46 =	vsub.f32 v46, v30;
	v26 =	vmul.f32 $5.000000000e-01, v51;
	(erf) = vpow2.f32 v25  }
0xc3: {  	v39 =	vsub.f32 v39, v31;
	v25 =	vmul.f32 $5.000000000e-01, v40;
	(erf) = vpow2.f32 v45  }
0xc4: {  	v37 =	vsub.f32 v41, v37;
	v27 =	vmul.f32 $5.000000000e-01, v43;
	(erf) = vpow2.f32 v55;
	v40 =	vpop (erf)  }
0xc5: {  	v34 =	vsub.f32 v28, v34;
	v30 =	vmul.f32 $5.486225710e-02, v40;
	(erf) = vpow2.f32 v49  }
0xc6: {  	v41 =	vsub.f32 v29, v56;
	v28 =	vmul.f32 $5.000000000e-01, v44;
	(erf) = vpow2.f32 v52  }
0xc7: {  	v29 =	vmul.f32 $5.000000000e-01, v47;
	v43 =	vsub.f32 $2.164084020e-01, v30;
	(erf) = vpow2.f32 v53  }
0xc8: {  	v31 =	vmul.f32 $5.000000000e-01, v50;
	v35 =	vsub.f32 v35, v54;
	v30 =	vmul.f32 $5.000000000e-01, v38  }
0xc9: {  	v15 =	vadd.f32 v46, v15;
	v36 =	vsub.f32 v36, v42;
	v38 =	vmul.f32 v43, v40  }
0xca: {  	v14 =	vadd.f32 v39, v14;
	v13 =	vadd.f32 v37, v13;
	v42 =	vpop (erf)  }
0xcb: {  	v12 =	vadd.f32 v34, v12;
	v37 =	vmul.f32 $5.486225710e-02, v42;
	v38 =	vadd.f32 $-4.640704990e-01, v38;
	v39 =	vpop (erf)  }
0xcc: {  	v11 =	vadd.f32 v41, v11;
	v10 =	vadd.f32 v35, v10;
	v34 =	vmul.f32 $5.486225710e-02, v39;
	v43 =	vpop (erf)  }
0xcd: {  	v37 =	vsub.f32 $2.164084020e-01, v37;
	v35 =	vmul.f32 $5.486225710e-02, v43;
	v38 =	vmul.f32 v38, v40;
	v41 =	vpop (erf)  }
0xce: {  	v9 =	vadd.f32 v36, v9;
	v34 =	vsub.f32 $2.164084020e-01, v34;
	v44 =	vmul.f32 $5.486225710e-02, v41;
	v45 =	vpop (erf)  }
0xcf: {  	s17 =	sadd.s32 $0x80, s17;
	v36 =	vsub.f32 $2.164084020e-01, v35;
	v35 =	vmul.f32 $5.486225710e-02, v45;
	v38 =	vadd.f32 $9.954265950e-01, v38;
	v46 =	vpop (erf)  }
0xd0: {  	v47 =	vmul.f32 v34, v39;
	v44 =	vsub.f32 $2.164084020e-01, v44;
	v34 =	vmul.f32 $5.486225710e-02, v46;
	v48 =	vld [tilespmem:s17+$0x0];
	v49 =	vpop (erf)  }
0xd1: {  	v50 =	vld [tilespmem:s17+$0xFFFFFF90];
	v51 =	vsub.f32 $2.164084020e-01, v35;
	v52 =	vmul.f32 $5.486225710e-02, v49;
	v38 =	vmul.f32 v38, v40  }
0xd2: {  	v37 =	vmul.f32 v37, v42;
	v40 =	vmul.f32 v36, v43;
	v35 =	vld [tilespmem:s17+$0xFFFFFFA0];
	v53 =	vsub.f32 $2.164084020e-01, v34  }
0xd3: {  	v54 =	vmul.f32 $5.000000000e-01, v33;
	v34 =	vld [tilespmem:s17+$0xFFFFFFB0];
	v52 =	vsub.f32 $2.164084020e-01, v52;
	v38 =	vadd.f32 $1.415869770e-04, v38  }
0xd4: {  	v47 =	vadd.f32 $-4.640704990e-01, v47;
	v44 =	vmul.f32 v44, v41;
	v51 =	vmul.f32 v51, v45;
	v33 =	vld [tilespmem:s17+$0xFFFFFFC0]  }
0xd5: {  	v53 =	vmul.f32 v53, v46;
	v36 =	vld [tilespmem:s17+$0xFFFFFFD0];
	vm0 =	vgt.f32 v17, v48;
	v48 =	vadd.f32 v38, v54  }
0xd6: {  	v54 =	vadd.f32 $-4.640704990e-01, v37;
	v52 =	vmul.f32 v52, v49;
	v38 =	vld [tilespmem:s17+$0xFFFFFFE0];
	v32 =	vnsel vm0, $0x0, v32  }
0xd7: {  	v40 =	vadd.f32 $-4.640704990e-01, v40;
	v47 =	vmul.f32 v47, v39;
	v37 =	vld [tilespmem:s17+$0xFFFFFFF0];
	v32 =	vsub.f32 v48, v32  }
0xd8: {  	v44 =	vadd.f32 $-4.640704990e-01, v44;
	v51 =	vadd.f32 $-4.640704990e-01, v51;
	v48 =	vmul.f32 v54, v42  }
0xd9: {  	v40 =	vmul.f32 v40, v43;
	v53 =	vadd.f32 $-4.640704990e-01, v53;
	v8 =	vadd.f32 v32, v8  }
0xda: {  	v32 =	vmul.f32 v44, v41;
	v44 =	vmul.f32 v51, v45;
	v51 =	vadd.f32 $-4.640704990e-01, v52  }
0xdb: {  	v47 =	vadd.f32 $9.954265950e-01, v47;
	v48 =	vadd.f32 $9.954265950e-01, v48;
	v52 =	vmul.f32 v53, v46  }
0xdc: {  	v40 =	vadd.f32 $9.954265950e-01, v40;
	v53 =	vadd.f32 $9.954265950e-01, v32;
	v32 =	vmul.f32 v51, v49  }
.Ltmp6:
0xdd: {  	v39 =	vmul.f32 v47, v39;
	v44 =	vadd.f32 $9.954265950e-01, v44;
	v47 =	vadd.f32 $9.954265950e-01, v52;
	(pc) =	sbr.rel @p1 .LBB2_4-.Ltmp6, $4  }
0xde: {  	v40 =	vmul.f32 v40, v43;
	v42 =	vmul.f32 v48, v42;
	v48 =	vadd.f32 $9.954265950e-01, v32  }
0xdf: {  	v32 =	vadd.f32 $1.415869770e-04, v39;
	v51 =	vmul.f32 v53, v41;
	v43 =	vmul.f32 v44, v45  }
0xe0: {  	v39 =	vadd.f32 $1.415869770e-04, v42;
	v44 =	vmul.f32 v47, v46;
	v42 =	vmul.f32 v48, v49  }
0xe1: {  	s19 =	sadd.s32 $0x80, s19;
	vm0 =	vgt.f32 v17, v50;
	v41 =	vadd.f32 $1.415869770e-04, v40;
	v40 =	vadd.f32 $1.415869770e-04, v51  }
.Ltmp7:
0xe2: {  	_ = 	snop;
	(pc) =	sbr.rel .LBB2_5-.Ltmp7, $1  }
0xe3: {  	_ =	sdelay $0x3  }
.LBB2_7:
0xe4: {  	v14 =	vadd.f32 v14, v15;
	_ =	sdelay $0x1  }
0xe5: {  	v13 =	vadd.f32 v13, v14;
	_ =	sdelay $0x1  }
0xe6: {  	v12 =	vadd.f32 v12, v13;
	_ =	sdelay $0x1  }
0xe7: {  	v11 =	vadd.f32 v11, v12;
	_ =	sdelay $0x1  }
0xe8: {  	v10 =	vadd.f32 v10, v11;
	_ =	sdelay $0x1  }
0xe9: {  	v9 =	vadd.f32 v9, v10;
	_ =	sdelay $0x1  }
0xea: {  	v8 =	vadd.f32 v8, v9;
	_ =	sdelay $0x1  }
.Ltmp8:
0xeb: {  	s15 =	simm.s32 $0x0;
	[tilespmem:$0x2000] =	vst v8;
	(pc) =	sbr.rel @p0 .LBB2_15-.Ltmp8, $4  }
0xec: {  	[hbm4b:s6+s15] =	stream.linear.scatter [tilespmem:s13], [sflag:$0x1], $0x10, $0x38;
	[tilespmem:$0x2080] =	vst v63  }
0xed: {  	_ =	swait.ge [sflag:s11], $0x10  }
0xee: {  	[sflag:s11] =	ssyncset.done $0x0  }
0xef: {  	v8 =	vimm.f32 $0.0e+00;
	[sflag:s11] =	ssyncadd.s32 $0xFFFFFFF0  }
0xf0: {  	s16 =	sshra.s32 s15, $0x2  }
0xf1: {  	s15 =	sadd.s32 $0x40, s15;
	v9 =	vld [tilespmem:s16+$0x1000]  }
.LBB2_9:
0xf2: {  	p1 =	sne.s32 s15, $0x3FC0  }
.Ltmp9:
0xf3: {  	_ = 	snop;
	(pc) =	sbr.rel @p1 .LBB2_9-.Ltmp9, $3  }
0xf4: {  	_ =	sdelay $0x1  }
0xf5: {  	s16 =	sshra.s32 s15, $0x2;
	s15 =	sadd.s32 $0x40, s15;
	v8 =	vadd.f32 v9, v8  }
0xf6: {  	v9 =	vld [tilespmem:s16+$0x1000]  }
0xf7: {  	_ =	sdelay $0x3  }
0xf8: {  	v8 =	vadd.f32 v9, v8;
	_ =	sdelay $0x1  }
0xf9: {  	v9 =	vperm.xlane v8, v0;
	_ =	sdelay $0x1  }
0xfa: {  	v8 =	vadd.f32 v9, v8;
	_ =	sdelay $0x1  }
0xfb: {  	v9 =	vperm.xlane v8, v2;
	_ =	sdelay $0x1  }
0xfc: {  	v8 =	vadd.f32 v9, v8;
	_ =	sdelay $0x1  }
0xfd: {  	v9 =	vperm.xlane v8, v4;
	_ =	sdelay $0x1  }
0xfe: {  	v8 =	vadd.f32 v9, v8;
	_ =	sdelay $0x1  }
0xff: {  	s16 =	simm.s32 $0x0;
	v9 =	vperm.xlane v8, v6  }
0x100: {  	v10 =	vld [tilespmem:s16+$0x1000]  }
0x101: {  	v8 =	vadd.f32 v9, v8;
	_ =	sdelay $0x1  }
0x102: {  	s15 =	simm.s32 $0x40;
	v9 =	vmul.f32 v8, v5;
	v8 =	vimm.f32 $0.0e+00  }
.LBB2_11:
0x103: {  	p1 =	sne.s32 s15, $0x3FC0  }
.Ltmp10:
0x104: {  	s16 =	sshra.s32 s15, $0x2;
	s15 =	sadd.s32 $0x40, s15;
	v11 =	vsub.f32 v10, v9;
	(pc) =	sbr.rel @p1 .LBB2_11-.Ltmp10, $3  }
0x105: {  	v10 =	vld [tilespmem:s16+$0x1000]  }
0x106: {  	v11 =	vmul.f32 v11, v11;
	_ =	sdelay $0x1  }
0x107: {  	v8 =	vadd.f32 v11, v8  }
0x108: {  	_ = 	snop  }
0x109: {  	v9 =	vsub.f32 v10, v9;
	_ =	sdelay $0x1  }
0x10a: {  	v9 =	vmul.f32 v9, v9;
	_ =	sdelay $0x1  }
0x10b: {  	v8 =	vadd.f32 v9, v8;
	_ =	sdelay $0x1  }
0x10c: {  	s15 =	simm.s32 $0x0;
	[tilespmem:$0x2000] =	vst v8  }
0x10d: {  	[hbm4b:s7+s15] =	stream.linear.scatter [tilespmem:s13], [sflag:$0x1], $0x10, $0x38;
	[tilespmem:$0x2080] =	vst v63  }
0x10e: {  	_ =	swait.ge [sflag:s11], $0x10  }
0x10f: {  	[sflag:s11] =	ssyncset.done $0x0  }
0x110: {  	v8 =	vmov s15;
	[sflag:s11] =	ssyncadd.s32 $0xFFFFFFF0  }
0x111: {  	v8 =	vshll.u32 v8, $0x1;
	v9 =	vld [tilespmem:s15+$0x0]  }
0x112: {  	v8 =	vor.u32 v7, v8  }
0x113: {  	v10 =	vsub.s32 $0xFFF, v8  }
0x114: {  	s16 =	simm.s32 $0x10;
	v8 =	vimm.f32 $0.0e+00;
	v10 =	vcvt.s32.f32 v10  }
.LBB2_13:
0x115: {  	p1 =	sne.s32 s16, $0xFF0  }
.Ltmp11:
0x116: {  	v11 =	vmov s16;
	s16 =	sadd.s32 $0x10, s16;
	s15 =	sadd.s32 $0x10, s15;
	v10 =	vmul.f32 v10, v9;
	(pc) =	sbr.rel @p1 .LBB2_13-.Ltmp11, $4  }
0x117: {  	v11 =	vshll.u32 v11, $0x1;
	v9 =	vld [tilespmem:s15+$0x0]  }
0x118: {  	v11 =	vor.u32 v7, v11;
	v8 =	vadd.f32 v10, v8  }
0x119: {  	v10 =	vsub.s32 $0xFFF, v11  }
0x11a: {  	v10 =	vcvt.s32.f32 v10  }
0x11b: {  	_ = 	snop  }
0x11c: {  	v9 =	vmul.f32 v10, v9;
	_ =	sdelay $0x1  }
0x11d: {  	v8 =	vadd.f32 v9, v8;
	_ =	sdelay $0x1  }
.Ltmp12:
0x11e: {  	[tilespmem:$0x2000] =	vst v8;
	(pc) =	sbr.rel .LBB2_15-.Ltmp12, $4  }
0x11f: {  	[hbm4b:s8+s3] =	stream.linear.scatter [tilespmem:s13], [sflag:$0x1], $0x10, $0x38;
	[tilespmem:$0x2080] =	vst v63  }
0x120: {  	_ =	swait.ge [sflag:s11], $0x10  }
0x121: {  	[sflag:s11] =	ssyncset.done $0x0  }
0x122: {  	[sflag:s11] =	ssyncadd.s32 $0xFFFFFFF0  }
.LBB2_16:
0x123: {  	_ =	sfence.sel $0x180000  }
0x124: {  	[bflag:$0x0] =	sbarrier.arrive $0xFFFF  }
0x125: {  	p0 =	sne.s32 s4, $0x0;
	_ =	strace $0x90000047  }
0x126: {  	s0 =	sadd.s32 @!p0 $0x100000, s0;
	[bflag:$0x2] =	sbarrier.arrive $0xFFFF  }
0x127: {  	[sflag:s0] =	ssyncadd.tile.s32 @!p0 $0x1;
	_ =	shalt  }
.Lfunc_end2:
_tile_overlayer_lowered:
.L_overlay_start_2:
0x128: {  	(tag) =	ssettag $0x2  }
0x129: {  	s0 =	rddreg [dreg:$0x0];
	s2 =	stileid.u32  }
0x12a: {  	s1 =	rddreg [dreg:$0x1];
	p0 =	sne.s32 s2, $0x0  }
0x12b: {  	s3 =	rddreg [dreg:$0x2];
	[bflag:$0x3] =	sbarrier.arrive $0xFFFF;
	s2 =	simm.s32 @!p0 $0x1C01  }
0x12c: {  	[timem:s3], [sflag:s2] =	dma.local @!p0 [hbm:s0], s1  }
0x12d: {  	s0 =	simm.s32 @!p0 $0x1  }
0x12e: {  	_ =	swait.ge @!p0 [sflag:s0], s1  }
0x12f: {  	s1 =	ssub.s32 @!p0 $0x0, s1;
	[sflag:s0] =	ssyncset.done @!p0 $0x0  }
0x130: {  	[sflag:s0] =	ssyncadd.s32 @!p0 s1  }
0x131: {  	[bflag:$0x3] =	sbarrier.arrive $0xFFFF  }
0x132: {  	_ =	shalt  }

</sc_bundles>
